<compile_context>
chip_gen: v7x
topology: tpu7x:2x2x1
jax: 0.10.2.dev20260603
libtpu: 0.0.44.dev20260713+nightly
codegen_flags: <defaults>
</compile_context>

<pallas_src>
import functools

import jax
import jax.numpy as jnp
from jax import lax
from jax.experimental import pallas as pl
from jax.experimental.pallas import tpu as pltpu
from jax.experimental.pallas import tpu_sc as plsc

EMB_D = 256
N_CODES = 8192
N_TOK = 8192
COMMIT = 0.25

TOK_TILE = 256
CODE_CHUNK = 512
N_TOK_TILES = N_TOK // TOK_TILE
N_CODE_CHUNKS = N_CODES // CODE_CHUNK

SC_NC = 2
SC_NS = 16
SC_NW = SC_NC * SC_NS
GATHER_CHUNK = 128


def _vq_body(x_ref, ew_ref, idx_ref, enc_ref, loss_ref, ent_ref, cnt_ref):
    i = pl.program_id(0)
    x = x_ref[...]
    xsq = jnp.sum(x * x, axis=1)
    run_min = jnp.full((TOK_TILE,), jnp.inf, jnp.float32)
    run_arg = jnp.zeros((TOK_TILE,), jnp.int32)
    for j in range(N_CODE_CHUNKS):
        e = ew_ref[pl.ds(j * CODE_CHUNK, CODE_CHUNK), :]
        esq = jnp.sum(e * e, axis=1)
        m = lax.dot_general(x, e, (((1,), (1,)), ((), ())),
                            preferred_element_type=jnp.float32)
        dist = (xsq[:, None] + esq[None, :]) - 2.0 * m
        lmin = jnp.min(dist, axis=1)
        iota = lax.broadcasted_iota(jnp.int32, (TOK_TILE, CODE_CHUNK), 1)
        larg = jnp.min(jnp.where(dist == lmin[:, None], iota, CODE_CHUNK),
                       axis=1) + j * CODE_CHUNK
        better = lmin < run_min
        run_arg = jnp.where(better, larg, run_arg)
        run_min = jnp.where(better, lmin, run_min)
    idx_ref[0, 0, :] = run_arg

    for j in range(N_CODE_CHUNKS):
        iota = lax.broadcasted_iota(jnp.int32, (TOK_TILE, CODE_CHUNK), 1)
        enc = (iota + j * CODE_CHUNK == run_arg[:, None]).astype(jnp.float32)
        enc_ref[:, pl.ds(j * CODE_CHUNK, CODE_CHUNK)] = enc
        colsum = jnp.sum(enc, axis=0)
        sl = pl.ds(j * CODE_CHUNK, CODE_CHUNK)

        @pl.when(i == 0)
        def _():
            cnt_ref[sl] = colsum

        @pl.when(i > 0)
        def _():
            cnt_ref[sl] = cnt_ref[sl] + colsum

    partial = jnp.reshape(jnp.sum(run_min), (1, 1))

    @pl.when(i == 0)
    def _():
        loss_ref[...] = jnp.zeros((1, 1), jnp.float32)
        ent_ref[...] = jnp.zeros((1, 1), jnp.float32)

    loss_ref[...] += partial

    @pl.when(i == N_TOK_TILES - 1)
    def _():
        loss_ref[...] = loss_ref[...] * (COMMIT / (N_TOK * EMB_D))
        p = cnt_ref[...] * (1.0 / N_TOK)
        ent_ref[...] = jnp.reshape(-jnp.sum(p * jnp.log(p + 1e-10)), (1, 1))


@functools.lru_cache(maxsize=1)
def _make_sc_gather():
    mesh = plsc.VectorSubcoreMesh(core_axis_name="c", subcore_axis_name="s")

    @functools.partial(
        pl.kernel,
        mesh=mesh,
        out_type=jax.ShapeDtypeStruct((N_TOK, EMB_D), jnp.float32),
        scratch_types=[
            pltpu.VMEM((GATHER_CHUNK,), jnp.int32),
            pltpu.VMEM((GATHER_CHUNK, EMB_D), jnp.float32),
            pltpu.SemaphoreType.DMA,
        ],
    )
    def _sc_gather(table_hbm, idx_hbm, out_hbm, idx_v, rows_v, sem):
        wid = lax.axis_index("s") * SC_NC + lax.axis_index("c")
        b_per_w = N_TOK // SC_NW
        base = wid * b_per_w
        for j in range(b_per_w // GATHER_CHUNK):
            off = base + j * GATHER_CHUNK
            pltpu.sync_copy(idx_hbm.at[pl.ds(off, GATHER_CHUNK)], idx_v)
            pltpu.async_copy(table_hbm.at[idx_v], rows_v, sem).wait()
            pltpu.sync_copy(rows_v, out_hbm.at[pl.ds(off, GATHER_CHUNK)])

    return _sc_gather


def kernel(inputs, embedding_weight):
    x = jnp.transpose(inputs, (0, 2, 3, 1)).reshape(N_TOK, EMB_D)

    idx3, enc, loss11, ent11 = pl.pallas_call(
        _vq_body,
        grid=(N_TOK_TILES,),
        in_specs=[
            pl.BlockSpec((TOK_TILE, EMB_D), lambda i: (i, 0)),
            pl.BlockSpec((N_CODES, EMB_D), lambda i: (0, 0)),
        ],
        out_specs=[
            pl.BlockSpec((1, 1, TOK_TILE), lambda i: (i, 0, 0)),
            pl.BlockSpec((TOK_TILE, N_CODES), lambda i: (i, 0)),
            pl.BlockSpec((1, 1), lambda i: (0, 0)),
            pl.BlockSpec((1, 1), lambda i: (0, 0)),
        ],
        out_shape=[
            jax.ShapeDtypeStruct((N_TOK_TILES, 1, TOK_TILE), jnp.int32),
            jax.ShapeDtypeStruct((N_TOK, N_CODES), jnp.float32),
            jax.ShapeDtypeStruct((1, 1), jnp.float32),
            jax.ShapeDtypeStruct((1, 1), jnp.float32),
        ],
        scratch_shapes=[pltpu.VMEM((N_CODES,), jnp.float32)],
    )(x, embedding_weight)

    q_flat = _make_sc_gather()(embedding_weight, idx3.reshape(N_TOK))
    quantized = jnp.transpose(q_flat.reshape(8, 32, 32, EMB_D), (0, 3, 1, 2))
    return (quantized, loss11[0, 0], ent11[0, 0], enc)

# --- scband reference (transcript-rebuilt; emitter-appended) ---
"""Pipeline reference for scband-vector-quantizer-ema-10668698763636 (READ-ONLY COPY).

The authoritative reference and input builder live on the scoring server;
editing this copy changes nothing except your own understanding.
"""

import jax, jax.numpy as jnp
import numpy as np

EMBEDDING_DIM = 256
NUM_EMBEDDINGS = 8192
COMMITMENT = 0.25


def setup_inputs(seed: int = 0) -> dict:
    key = jax.random.key(seed)
    k1, k2 = jax.random.split(key)
    inputs = jax.random.normal(k1, (8, 256, 32, 32), dtype=jnp.float32)
    embedding_weight = jax.random.normal(k2, (NUM_EMBEDDINGS, EMBEDDING_DIM), dtype=jnp.float32)
    return {"inputs": inputs, "embedding_weight": embedding_weight}


def reference(inputs, embedding_weight):
    # inputs: [B, C, H, W] -> [B, H, W, C]
    x = jnp.transpose(inputs, (0, 2, 3, 1))
    input_shape = x.shape
    flat_input = x.reshape(-1, EMBEDDING_DIM)
    # squared L2 distances to every codebook entry
    distances = (jnp.sum(flat_input ** 2, axis=1, keepdims=True)
                 + jnp.sum(embedding_weight ** 2, axis=1)
                 - 2.0 * jnp.matmul(flat_input, embedding_weight.T))
    encoding_indices = jnp.argmin(distances, axis=1)
    encodings = jax.nn.one_hot(encoding_indices, NUM_EMBEDDINGS, dtype=jnp.float32)
    quantized = jnp.matmul(encodings, embedding_weight).reshape(input_shape)
    # eval-mode path (no EMA buffer updates)
    e_latent_loss = jnp.mean((jax.lax.stop_gradient(quantized) - x) ** 2)
    loss = COMMITMENT * e_latent_loss
    quantized = x + jax.lax.stop_gradient(quantized - x)
    avg_probs = jnp.mean(encodings, axis=0)
    vq_entropy = -jnp.sum(avg_probs * jnp.log(avg_probs + 1e-10))
    return (jnp.transpose(quantized, (0, 3, 1, 2)), loss, vq_entropy, encodings)

if __name__ == "__main__":
    import jax
    _d = setup_inputs()
    print(jax.jit(kernel)(*tuple(_d.values())))

</pallas_src>

<mosaic_0001>
#map = affine_map<(d0, d1) -> (0, 0)>
#map1 = affine_map<(d0, d1) -> (0)>
module attributes {stable_mosaic.version = 14 : i64} {
  func.func @_sc_gather(%arg0: i32, %arg1: i32, %arg2: memref<8192x256xf32, #tpu.memory_space<hbm>>, %arg3: memref<8192xi32, #tpu.memory_space<hbm>>, %arg4: memref<8192x256xf32, #tpu.memory_space<hbm>>, %arg5: memref<128xi32, #tpu.memory_space<vmem>>, %arg6: memref<128x256xf32, #tpu.memory_space<vmem>>, %arg7: memref<!tpu.dma_semaphore, #tpu.memory_space<semaphore_mem>>) attributes {dimension_semantics = [#tpu.dimension_semantics<core_parallel>, #tpu.dimension_semantics<subcore_parallel>], iteration_bounds = array<i64: 2, 16>, scalar_prefetch = 0 : i64, scratch_operands = 3 : i64, tpu.core_type = #tpu.core_type<sc_vector_subcore>, window_params = [{transform_indices = #map}, {transform_indices = #map1}, {transform_indices = #map}]} {
    %mul3A = arith.constant 2 : i32
    %mul3A_0 = arith.muli %arg1, %mul3A : i32
    %add3A = arith.addi %mul3A_0, %arg0 : i32
    %mul3A_1 = arith.constant 256 : i32
    %mul3A_2 = arith.muli %add3A, %mul3A_1 : i32
    %add3A_3 = arith.constant 0 : i32
    %add3A_4 = arith.addi %mul3A_2, %add3A_3 : i32
    "tpu.region"() ({
      %run_scoped3A = tpu.sem_alloc : memref<!tpu.dma_semaphore, #tpu.memory_space<semaphore_mem>>
      %dma_start3A_17 = tpu.memref_slice %arg3[%add3A_4] : memref<8192xi32, #tpu.memory_space<hbm>> -> memref<128xi32, #tpu.memory_space<hbm>>
      %dma_start3A_18 = tpu.memref_slice %arg3[%add3A_4] : memref<8192xi32, #tpu.memory_space<hbm>> -> memref<128xi32, #tpu.memory_space<hbm>>
      tpu.enqueue_dma source(%dma_start3A_18 : memref<128xi32, #tpu.memory_space<hbm>>) target(%arg5 : memref<128xi32, #tpu.memory_space<vmem>>) target_semaphore(%run_scoped3A : memref<!tpu.dma_semaphore, #tpu.memory_space<semaphore_mem>>)
      %dma_wait3A_19 = tpu.memref_slice %arg3[%add3A_4] : memref<8192xi32, #tpu.memory_space<hbm>> -> memref<128xi32, #tpu.memory_space<hbm>>
      %dma_wait3A_20 = tpu.memref_slice %arg3[%add3A_4] : memref<8192xi32, #tpu.memory_space<hbm>> -> memref<128xi32, #tpu.memory_space<hbm>>
      tpu.wait_dma2 semaphore(%run_scoped3A : memref<!tpu.dma_semaphore, #tpu.memory_space<semaphore_mem>>) src(%dma_wait3A_20 : memref<128xi32, #tpu.memory_space<hbm>>) dst(%arg5 : memref<128xi32, #tpu.memory_space<vmem>>)
      tpu.yield
    }) : () -> ()
    %dma_start3A = arith.constant 0 : i32
    %dma_start3A_5 = arith.constant 0 : i32
    %dma_start3A_6 = tpu.memref_slice %arg2[%dma_start3A, %dma_start3A_5] : memref<8192x256xf32, #tpu.memory_space<hbm>> -> memref<8192x256xf32, #tpu.memory_space<hbm>>
    tpu.enqueue_indirect_dma source(%dma_start3A_6 : memref<8192x256xf32, #tpu.memory_space<hbm>>) target(%arg6 : memref<128x256xf32, #tpu.memory_space<vmem>>) offsets(%arg5 : memref<128xi32, #tpu.memory_space<vmem>>) semaphore(%arg7 : memref<!tpu.dma_semaphore, #tpu.memory_space<semaphore_mem>>)
    %dma_wait3A = arith.constant 0 : i32
    %dma_wait3A_7 = arith.constant 0 : i32
    %dma_wait3A_8 = tpu.memref_slice %arg2[%dma_wait3A, %dma_wait3A_7] : memref<8192x256xf32, #tpu.memory_space<hbm>> -> memref<8192x256xf32, #tpu.memory_space<hbm>>
    tpu.wait_indirect_dma semaphore(%arg7 : memref<!tpu.dma_semaphore, #tpu.memory_space<semaphore_mem>>) src(%dma_wait3A_8 : memref<8192x256xf32, #tpu.memory_space<hbm>>) dst(%arg6 : memref<128x256xf32, #tpu.memory_space<vmem>>)
    "tpu.region"() ({
      %run_scoped3A = tpu.sem_alloc : memref<!tpu.dma_semaphore, #tpu.memory_space<semaphore_mem>>
      %dma_start3A_17 = arith.constant 0 : i32
      %dma_start3A_18 = tpu.memref_slice %arg4[%add3A_4, %dma_start3A_17] : memref<8192x256xf32, #tpu.memory_space<hbm>> -> memref<128x256xf32, #tpu.memory_space<hbm>>
      %dma_start3A_19 = arith.constant 0 : i32
      %dma_start3A_20 = tpu.memref_slice %arg4[%add3A_4, %dma_start3A_19] : memref<8192x256xf32, #tpu.memory_space<hbm>> -> memref<128x256xf32, #tpu.memory_space<hbm>>
      tpu.enqueue_dma source(%arg6 : memref<128x256xf32, #tpu.memory_space<vmem>>) target(%dma_start3A_20 : memref<128x256xf32, #tpu.memory_space<hbm>>) target_semaphore(%run_scoped3A : memref<!tpu.dma_semaphore, #tpu.memory_space<semaphore_mem>>)
      %dma_wait3A_21 = arith.constant 0 : i32
      %dma_wait3A_22 = tpu.memref_slice %arg4[%add3A_4, %dma_wait3A_21] : memref<8192x256xf32, #tpu.memory_space<hbm>> -> memref<128x256xf32, #tpu.memory_space<hbm>>
      %dma_wait3A_23 = arith.constant 0 : i32
      %dma_wait3A_24 = tpu.memref_slice %arg4[%add3A_4, %dma_wait3A_23] : memref<8192x256xf32, #tpu.memory_space<hbm>> -> memref<128x256xf32, #tpu.memory_space<hbm>>
      tpu.wait_dma2 semaphore(%run_scoped3A : memref<!tpu.dma_semaphore, #tpu.memory_space<semaphore_mem>>) src(%arg6 : memref<128x256xf32, #tpu.memory_space<vmem>>) dst(%dma_wait3A_24 : memref<128x256xf32, #tpu.memory_space<hbm>>)
      tpu.yield
    }) : () -> ()
    %add3A_9 = arith.constant 128 : i32
    %add3A_10 = arith.addi %mul3A_2, %add3A_9 : i32
    "tpu.region"() ({
      %run_scoped3A = tpu.sem_alloc : memref<!tpu.dma_semaphore, #tpu.memory_space<semaphore_mem>>
      %dma_start3A_17 = tpu.memref_slice %arg3[%add3A_10] : memref<8192xi32, #tpu.memory_space<hbm>> -> memref<128xi32, #tpu.memory_space<hbm>>
      %dma_start3A_18 = tpu.memref_slice %arg3[%add3A_10] : memref<8192xi32, #tpu.memory_space<hbm>> -> memref<128xi32, #tpu.memory_space<hbm>>
      tpu.enqueue_dma source(%dma_start3A_18 : memref<128xi32, #tpu.memory_space<hbm>>) target(%arg5 : memref<128xi32, #tpu.memory_space<vmem>>) target_semaphore(%run_scoped3A : memref<!tpu.dma_semaphore, #tpu.memory_space<semaphore_mem>>)
      %dma_wait3A_19 = tpu.memref_slice %arg3[%add3A_10] : memref<8192xi32, #tpu.memory_space<hbm>> -> memref<128xi32, #tpu.memory_space<hbm>>
      %dma_wait3A_20 = tpu.memref_slice %arg3[%add3A_10] : memref<8192xi32, #tpu.memory_space<hbm>> -> memref<128xi32, #tpu.memory_space<hbm>>
      tpu.wait_dma2 semaphore(%run_scoped3A : memref<!tpu.dma_semaphore, #tpu.memory_space<semaphore_mem>>) src(%dma_wait3A_20 : memref<128xi32, #tpu.memory_space<hbm>>) dst(%arg5 : memref<128xi32, #tpu.memory_space<vmem>>)
      tpu.yield
    }) : () -> ()
    %dma_start3A_11 = arith.constant 0 : i32
    %dma_start3A_12 = arith.constant 0 : i32
    %dma_start3A_13 = tpu.memref_slice %arg2[%dma_start3A_11, %dma_start3A_12] : memref<8192x256xf32, #tpu.memory_space<hbm>> -> memref<8192x256xf32, #tpu.memory_space<hbm>>
    tpu.enqueue_indirect_dma source(%dma_start3A_13 : memref<8192x256xf32, #tpu.memory_space<hbm>>) target(%arg6 : memref<128x256xf32, #tpu.memory_space<vmem>>) offsets(%arg5 : memref<128xi32, #tpu.memory_space<vmem>>) semaphore(%arg7 : memref<!tpu.dma_semaphore, #tpu.memory_space<semaphore_mem>>)
    %dma_wait3A_14 = arith.constant 0 : i32
    %dma_wait3A_15 = arith.constant 0 : i32
    %dma_wait3A_16 = tpu.memref_slice %arg2[%dma_wait3A_14, %dma_wait3A_15] : memref<8192x256xf32, #tpu.memory_space<hbm>> -> memref<8192x256xf32, #tpu.memory_space<hbm>>
    tpu.wait_indirect_dma semaphore(%arg7 : memref<!tpu.dma_semaphore, #tpu.memory_space<semaphore_mem>>) src(%dma_wait3A_16 : memref<8192x256xf32, #tpu.memory_space<hbm>>) dst(%arg6 : memref<128x256xf32, #tpu.memory_space<vmem>>)
    "tpu.region"() ({
      %run_scoped3A = tpu.sem_alloc : memref<!tpu.dma_semaphore, #tpu.memory_space<semaphore_mem>>
      %dma_start3A_17 = arith.constant 0 : i32
      %dma_start3A_18 = tpu.memref_slice %arg4[%add3A_10, %dma_start3A_17] : memref<8192x256xf32, #tpu.memory_space<hbm>> -> memref<128x256xf32, #tpu.memory_space<hbm>>
      %dma_start3A_19 = arith.constant 0 : i32
      %dma_start3A_20 = tpu.memref_slice %arg4[%add3A_10, %dma_start3A_19] : memref<8192x256xf32, #tpu.memory_space<hbm>> -> memref<128x256xf32, #tpu.memory_space<hbm>>
      tpu.enqueue_dma source(%arg6 : memref<128x256xf32, #tpu.memory_space<vmem>>) target(%dma_start3A_20 : memref<128x256xf32, #tpu.memory_space<hbm>>) target_semaphore(%run_scoped3A : memref<!tpu.dma_semaphore, #tpu.memory_space<semaphore_mem>>)
      %dma_wait3A_21 = arith.constant 0 : i32
      %dma_wait3A_22 = tpu.memref_slice %arg4[%add3A_10, %dma_wait3A_21] : memref<8192x256xf32, #tpu.memory_space<hbm>> -> memref<128x256xf32, #tpu.memory_space<hbm>>
      %dma_wait3A_23 = arith.constant 0 : i32
      %dma_wait3A_24 = tpu.memref_slice %arg4[%add3A_10, %dma_wait3A_23] : memref<8192x256xf32, #tpu.memory_space<hbm>> -> memref<128x256xf32, #tpu.memory_space<hbm>>
      tpu.wait_dma2 semaphore(%run_scoped3A : memref<!tpu.dma_semaphore, #tpu.memory_space<semaphore_mem>>) src(%arg6 : memref<128x256xf32, #tpu.memory_space<vmem>>) dst(%dma_wait3A_24 : memref<128x256xf32, #tpu.memory_space<hbm>>)
      tpu.yield
    }) : () -> ()
    return
  }
}

module attributes {stable_mosaic.version = 14 : i64} {
  func.func @_vq_body(%arg0: i32, %arg1: memref<256x256xf32, #tpu.memory_space<vmem>>, %arg2: memref<8192x256xf32, #tpu.memory_space<vmem>>, %arg3: memref<1x1x256xi32, #tpu.memory_space<vmem>>, %arg4: memref<256x8192xf32, #tpu.memory_space<vmem>>, %arg5: memref<1x1xf32, #tpu.memory_space<vmem>>, %arg6: memref<1x1xf32, #tpu.memory_space<vmem>>, %arg7: memref<8192xf32, #tpu.memory_space<vmem>>) attributes {dimension_semantics = [#tpu.dimension_semantics<arbitrary>], iteration_bounds = array<i64: 32>, scalar_prefetch = 0 : i64, scratch_operands = 1 : i64, tpu.core_type = #tpu.core_type<tc>, window_params = [{transform_indices = @transform_0, window_bounds = array<i64: 256, 256>}, {pipeline_mode = #tpu.pipeline_mode<synchronous>, transform_indices = @transform_1, window_bounds = array<i64: 8192, 256>}, {transform_indices = @transform_2, window_bounds = array<i64: 1, 1, 256>}, {transform_indices = @transform_3, window_bounds = array<i64: 256, 8192>}, {pipeline_mode = #tpu.pipeline_mode<synchronous>, transform_indices = @transform_4, window_bounds = array<i64: 1, 1>}, {pipeline_mode = #tpu.pipeline_mode<synchronous>, transform_indices = @transform_5, window_bounds = array<i64: 1, 1>}]} {
    %get3A = arith.constant 0 : index
    %get3A_0 = arith.constant 0 : index
    %get3A_1 = vector.load %arg1[%get3A, %get3A_0] : memref<256x256xf32, #tpu.memory_space<vmem>>, vector<256x256xf32>
    %mul3A = arith.mulf %get3A_1, %get3A_1 : vector<256x256xf32>
    %reduce_sum3A = arith.constant dense<0.000000e+00> : vector<256xf32>
    %reduce_sum3A_2 = vector.multi_reduction <add>, %mul3A, %reduce_sum3A [1] : vector<256x256xf32> to vector<256xf32>
    %broadcast_in_dim3A = arith.constant 0x7F800000 : f32
    %broadcast_in_dim3A_3 = vector.broadcast %broadcast_in_dim3A : f32 to vector<256xf32>
    %broadcast_in_dim3A_4 = arith.constant 0 : i32
    %broadcast_in_dim3A_5 = vector.broadcast %broadcast_in_dim3A_4 : i32 to vector<256xi32>
    %get3A_6 = arith.constant 0 : index
    %get3A_7 = arith.constant 0 : index
    %get3A_8 = vector.load %arg2[%get3A_6, %get3A_7] : memref<8192x256xf32, #tpu.memory_space<vmem>>, vector<512x256xf32>
    %mul3A_9 = arith.mulf %get3A_8, %get3A_8 : vector<512x256xf32>
    %reduce_sum3A_10 = arith.constant dense<0.000000e+00> : vector<512xf32>
    %reduce_sum3A_11 = vector.multi_reduction <add>, %mul3A_9, %reduce_sum3A_10 [1] : vector<512x256xf32> to vector<512xf32>
    %dot_general3A = arith.constant dense<0.000000e+00> : vector<256x512xf32>
    %dot_general3A_12 = tpu.matmul %get3A_1, %get3A_8, %dot_general3A {dimension_numbers = #tpu.dot_dimension_numbers<[1], [1], [0], [0], [0, 0, 1, 0], [], []>, transpose_lhs_hint = false} : vector<256x256xf32>, vector<512x256xf32>, vector<256x512xf32> -> vector<256x512xf32>
    %broadcast_in_dim3A_13 = vector.shape_cast %reduce_sum3A_2 : vector<256xf32> to vector<256x1xf32>
    %broadcast_in_dim3A_14 = vector.shape_cast %reduce_sum3A_11 : vector<512xf32> to vector<1x512xf32>
    %add3A = vector.broadcast %broadcast_in_dim3A_13 : vector<256x1xf32> to vector<256x512xf32>
    %add3A_15 = vector.broadcast %broadcast_in_dim3A_14 : vector<1x512xf32> to vector<256x512xf32>
    %add3A_16 = arith.addf %add3A, %add3A_15 : vector<256x512xf32>
    %mul3A_17 = arith.constant 2.000000e+00 : f32
    %mul3A_18 = vector.broadcast %mul3A_17 : f32 to vector<256x512xf32>
    %mul3A_19 = arith.mulf %mul3A_18, %dot_general3A_12 : vector<256x512xf32>
    %sub3A = arith.subf %add3A_16, %mul3A_19 : vector<256x512xf32>
    %reduce_min3A = arith.constant dense<0x7F800000> : vector<256xf32>
    %reduce_min3A_20 = vector.multi_reduction <minimumf>, %sub3A, %reduce_min3A [1] : vector<256x512xf32> to vector<256xf32>
    %iota3A = tpu.iota {dimensions = array<i32: 1>} : vector<256x512xi32>
    %broadcast_in_dim3A_21 = vector.shape_cast %reduce_min3A_20 : vector<256xf32> to vector<256x1xf32>
    %eq3A = vector.broadcast %broadcast_in_dim3A_21 : vector<256x1xf32> to vector<256x512xf32>
    %eq3A_22 = arith.cmpf oeq, %sub3A, %eq3A : vector<256x512xf32>
    %jit3A = arith.constant 512 : i32
    %broadcast_in_dim3A_23 = vector.broadcast %jit3A : i32 to vector<256x512xi32>
    %select_n3A = arith.select %eq3A_22, %iota3A, %broadcast_in_dim3A_23 : vector<256x512xi1>, vector<256x512xi32>
    %reduce_min3A_24 = arith.constant dense<2147483647> : vector<256xi32>
    %reduce_min3A_25 = vector.multi_reduction <minsi>, %select_n3A, %reduce_min3A_24 [1] : vector<256x512xi32> to vector<256xi32>
    %add3A_26 = arith.constant 0 : i32
    %add3A_27 = vector.broadcast %add3A_26 : i32 to vector<256xi32>
    %add3A_28 = arith.addi %reduce_min3A_25, %add3A_27 : vector<256xi32>
    %lt3A = arith.cmpf olt, %reduce_min3A_20, %broadcast_in_dim3A_3 : vector<256xf32>
    %select_n3A_29 = arith.select %lt3A, %add3A_28, %broadcast_in_dim3A_5 : vector<256xi1>, vector<256xi32>
    %select_n3A_30 = arith.select %lt3A, %reduce_min3A_20, %broadcast_in_dim3A_3 : vector<256xi1>, vector<256xf32>
    %get3A_31 = arith.constant 512 : index
    %get3A_32 = arith.constant 0 : index
    %get3A_33 = vector.load %arg2[%get3A_31, %get3A_32] : memref<8192x256xf32, #tpu.memory_space<vmem>>, vector<512x256xf32>
    %mul3A_34 = arith.mulf %get3A_33, %get3A_33 : vector<512x256xf32>
    %reduce_sum3A_35 = arith.constant dense<0.000000e+00> : vector<512xf32>
    %reduce_sum3A_36 = vector.multi_reduction <add>, %mul3A_34, %reduce_sum3A_35 [1] : vector<512x256xf32> to vector<512xf32>
    %dot_general3A_37 = arith.constant dense<0.000000e+00> : vector<256x512xf32>
    %dot_general3A_38 = tpu.matmul %get3A_1, %get3A_33, %dot_general3A_37 {dimension_numbers = #tpu.dot_dimension_numbers<[1], [1], [0], [0], [0, 0, 1, 0], [], []>, transpose_lhs_hint = false} : vector<256x256xf32>, vector<512x256xf32>, vector<256x512xf32> -> vector<256x512xf32>
    %broadcast_in_dim3A_39 = vector.shape_cast %reduce_sum3A_2 : vector<256xf32> to vector<256x1xf32>
    %broadcast_in_dim3A_40 = vector.shape_cast %reduce_sum3A_36 : vector<512xf32> to vector<1x512xf32>
    %add3A_41 = vector.broadcast %broadcast_in_dim3A_39 : vector<256x1xf32> to vector<256x512xf32>
    %add3A_42 = vector.broadcast %broadcast_in_dim3A_40 : vector<1x512xf32> to vector<256x512xf32>
    %add3A_43 = arith.addf %add3A_41, %add3A_42 : vector<256x512xf32>
    %mul3A_44 = arith.constant 2.000000e+00 : f32
    %mul3A_45 = vector.broadcast %mul3A_44 : f32 to vector<256x512xf32>
    %mul3A_46 = arith.mulf %mul3A_45, %dot_general3A_38 : vector<256x512xf32>
    %sub3A_47 = arith.subf %add3A_43, %mul3A_46 : vector<256x512xf32>
    %reduce_min3A_48 = arith.constant dense<0x7F800000> : vector<256xf32>
    %reduce_min3A_49 = vector.multi_reduction <minimumf>, %sub3A_47, %reduce_min3A_48 [1] : vector<256x512xf32> to vector<256xf32>
    %iota3A_50 = tpu.iota {dimensions = array<i32: 1>} : vector<256x512xi32>
    %broadcast_in_dim3A_51 = vector.shape_cast %reduce_min3A_49 : vector<256xf32> to vector<256x1xf32>
    %eq3A_52 = vector.broadcast %broadcast_in_dim3A_51 : vector<256x1xf32> to vector<256x512xf32>
    %eq3A_53 = arith.cmpf oeq, %sub3A_47, %eq3A_52 : vector<256x512xf32>
    %jit3A_54 = arith.constant 512 : i32
    %broadcast_in_dim3A_55 = vector.broadcast %jit3A_54 : i32 to vector<256x512xi32>
    %select_n3A_56 = arith.select %eq3A_53, %iota3A_50, %broadcast_in_dim3A_55 : vector<256x512xi1>, vector<256x512xi32>
    %reduce_min3A_57 = arith.constant dense<2147483647> : vector<256xi32>
    %reduce_min3A_58 = vector.multi_reduction <minsi>, %select_n3A_56, %reduce_min3A_57 [1] : vector<256x512xi32> to vector<256xi32>
    %add3A_59 = arith.constant 512 : i32
    %add3A_60 = vector.broadcast %add3A_59 : i32 to vector<256xi32>
    %add3A_61 = arith.addi %reduce_min3A_58, %add3A_60 : vector<256xi32>
    %lt3A_62 = arith.cmpf olt, %reduce_min3A_49, %select_n3A_30 : vector<256xf32>
    %select_n3A_63 = arith.select %lt3A_62, %add3A_61, %select_n3A_29 : vector<256xi1>, vector<256xi32>
    %select_n3A_64 = arith.select %lt3A_62, %reduce_min3A_49, %select_n3A_30 : vector<256xi1>, vector<256xf32>
    %get3A_65 = arith.constant 1024 : index
    %get3A_66 = arith.constant 0 : index
    %get3A_67 = vector.load %arg2[%get3A_65, %get3A_66] : memref<8192x256xf32, #tpu.memory_space<vmem>>, vector<512x256xf32>
    %mul3A_68 = arith.mulf %get3A_67, %get3A_67 : vector<512x256xf32>
    %reduce_sum3A_69 = arith.constant dense<0.000000e+00> : vector<512xf32>
    %reduce_sum3A_70 = vector.multi_reduction <add>, %mul3A_68, %reduce_sum3A_69 [1] : vector<512x256xf32> to vector<512xf32>
    %dot_general3A_71 = arith.constant dense<0.000000e+00> : vector<256x512xf32>
    %dot_general3A_72 = tpu.matmul %get3A_1, %get3A_67, %dot_general3A_71 {dimension_numbers = #tpu.dot_dimension_numbers<[1], [1], [0], [0], [0, 0, 1, 0], [], []>, transpose_lhs_hint = false} : vector<256x256xf32>, vector<512x256xf32>, vector<256x512xf32> -> vector<256x512xf32>
    %broadcast_in_dim3A_73 = vector.shape_cast %reduce_sum3A_2 : vector<256xf32> to vector<256x1xf32>
    %broadcast_in_dim3A_74 = vector.shape_cast %reduce_sum3A_70 : vector<512xf32> to vector<1x512xf32>
    %add3A_75 = vector.broadcast %broadcast_in_dim3A_73 : vector<256x1xf32> to vector<256x512xf32>
    %add3A_76 = vector.broadcast %broadcast_in_dim3A_74 : vector<1x512xf32> to vector<256x512xf32>
    %add3A_77 = arith.addf %add3A_75, %add3A_76 : vector<256x512xf32>
    %mul3A_78 = arith.constant 2.000000e+00 : f32
    %mul3A_79 = vector.broadcast %mul3A_78 : f32 to vector<256x512xf32>
    %mul3A_80 = arith.mulf %mul3A_79, %dot_general3A_72 : vector<256x512xf32>
    %sub3A_81 = arith.subf %add3A_77, %mul3A_80 : vector<256x512xf32>
    %reduce_min3A_82 = arith.constant dense<0x7F800000> : vector<256xf32>
    %reduce_min3A_83 = vector.multi_reduction <minimumf>, %sub3A_81, %reduce_min3A_82 [1] : vector<256x512xf32> to vector<256xf32>
    %iota3A_84 = tpu.iota {dimensions = array<i32: 1>} : vector<256x512xi32>
    %broadcast_in_dim3A_85 = vector.shape_cast %reduce_min3A_83 : vector<256xf32> to vector<256x1xf32>
    %eq3A_86 = vector.broadcast %broadcast_in_dim3A_85 : vector<256x1xf32> to vector<256x512xf32>
    %eq3A_87 = arith.cmpf oeq, %sub3A_81, %eq3A_86 : vector<256x512xf32>
    %jit3A_88 = arith.constant 512 : i32
    %broadcast_in_dim3A_89 = vector.broadcast %jit3A_88 : i32 to vector<256x512xi32>
    %select_n3A_90 = arith.select %eq3A_87, %iota3A_84, %broadcast_in_dim3A_89 : vector<256x512xi1>, vector<256x512xi32>
    %reduce_min3A_91 = arith.constant dense<2147483647> : vector<256xi32>
    %reduce_min3A_92 = vector.multi_reduction <minsi>, %select_n3A_90, %reduce_min3A_91 [1] : vector<256x512xi32> to vector<256xi32>
    %add3A_93 = arith.constant 1024 : i32
    %add3A_94 = vector.broadcast %add3A_93 : i32 to vector<256xi32>
    %add3A_95 = arith.addi %reduce_min3A_92, %add3A_94 : vector<256xi32>
    %lt3A_96 = arith.cmpf olt, %reduce_min3A_83, %select_n3A_64 : vector<256xf32>
    %select_n3A_97 = arith.select %lt3A_96, %add3A_95, %select_n3A_63 : vector<256xi1>, vector<256xi32>
    %select_n3A_98 = arith.select %lt3A_96, %reduce_min3A_83, %select_n3A_64 : vector<256xi1>, vector<256xf32>
    %get3A_99 = arith.constant 1536 : index
    %get3A_100 = arith.constant 0 : index
    %get3A_101 = vector.load %arg2[%get3A_99, %get3A_100] : memref<8192x256xf32, #tpu.memory_space<vmem>>, vector<512x256xf32>
    %mul3A_102 = arith.mulf %get3A_101, %get3A_101 : vector<512x256xf32>
    %reduce_sum3A_103 = arith.constant dense<0.000000e+00> : vector<512xf32>
    %reduce_sum3A_104 = vector.multi_reduction <add>, %mul3A_102, %reduce_sum3A_103 [1] : vector<512x256xf32> to vector<512xf32>
    %dot_general3A_105 = arith.constant dense<0.000000e+00> : vector<256x512xf32>
    %dot_general3A_106 = tpu.matmul %get3A_1, %get3A_101, %dot_general3A_105 {dimension_numbers = #tpu.dot_dimension_numbers<[1], [1], [0], [0], [0, 0, 1, 0], [], []>, transpose_lhs_hint = false} : vector<256x256xf32>, vector<512x256xf32>, vector<256x512xf32> -> vector<256x512xf32>
    %broadcast_in_dim3A_107 = vector.shape_cast %reduce_sum3A_2 : vector<256xf32> to vector<256x1xf32>
    %broadcast_in_dim3A_108 = vector.shape_cast %reduce_sum3A_104 : vector<512xf32> to vector<1x512xf32>
    %add3A_109 = vector.broadcast %broadcast_in_dim3A_107 : vector<256x1xf32> to vector<256x512xf32>
    %add3A_110 = vector.broadcast %broadcast_in_dim3A_108 : vector<1x512xf32> to vector<256x512xf32>
    %add3A_111 = arith.addf %add3A_109, %add3A_110 : vector<256x512xf32>
    %mul3A_112 = arith.constant 2.000000e+00 : f32
    %mul3A_113 = vector.broadcast %mul3A_112 : f32 to vector<256x512xf32>
    %mul3A_114 = arith.mulf %mul3A_113, %dot_general3A_106 : vector<256x512xf32>
    %sub3A_115 = arith.subf %add3A_111, %mul3A_114 : vector<256x512xf32>
    %reduce_min3A_116 = arith.constant dense<0x7F800000> : vector<256xf32>
    %reduce_min3A_117 = vector.multi_reduction <minimumf>, %sub3A_115, %reduce_min3A_116 [1] : vector<256x512xf32> to vector<256xf32>
    %iota3A_118 = tpu.iota {dimensions = array<i32: 1>} : vector<256x512xi32>
    %broadcast_in_dim3A_119 = vector.shape_cast %reduce_min3A_117 : vector<256xf32> to vector<256x1xf32>
    %eq3A_120 = vector.broadcast %broadcast_in_dim3A_119 : vector<256x1xf32> to vector<256x512xf32>
    %eq3A_121 = arith.cmpf oeq, %sub3A_115, %eq3A_120 : vector<256x512xf32>
    %jit3A_122 = arith.constant 512 : i32
    %broadcast_in_dim3A_123 = vector.broadcast %jit3A_122 : i32 to vector<256x512xi32>
    %select_n3A_124 = arith.select %eq3A_121, %iota3A_118, %broadcast_in_dim3A_123 : vector<256x512xi1>, vector<256x512xi32>
    %reduce_min3A_125 = arith.constant dense<2147483647> : vector<256xi32>
    %reduce_min3A_126 = vector.multi_reduction <minsi>, %select_n3A_124, %reduce_min3A_125 [1] : vector<256x512xi32> to vector<256xi32>
    %add3A_127 = arith.constant 1536 : i32
    %add3A_128 = vector.broadcast %add3A_127 : i32 to vector<256xi32>
    %add3A_129 = arith.addi %reduce_min3A_126, %add3A_128 : vector<256xi32>
    %lt3A_130 = arith.cmpf olt, %reduce_min3A_117, %select_n3A_98 : vector<256xf32>
    %select_n3A_131 = arith.select %lt3A_130, %add3A_129, %select_n3A_97 : vector<256xi1>, vector<256xi32>
    %select_n3A_132 = arith.select %lt3A_130, %reduce_min3A_117, %select_n3A_98 : vector<256xi1>, vector<256xf32>
    %get3A_133 = arith.constant 2048 : index
    %get3A_134 = arith.constant 0 : index
    %get3A_135 = vector.load %arg2[%get3A_133, %get3A_134] : memref<8192x256xf32, #tpu.memory_space<vmem>>, vector<512x256xf32>
    %mul3A_136 = arith.mulf %get3A_135, %get3A_135 : vector<512x256xf32>
    %reduce_sum3A_137 = arith.constant dense<0.000000e+00> : vector<512xf32>
    %reduce_sum3A_138 = vector.multi_reduction <add>, %mul3A_136, %reduce_sum3A_137 [1] : vector<512x256xf32> to vector<512xf32>
    %dot_general3A_139 = arith.constant dense<0.000000e+00> : vector<256x512xf32>
    %dot_general3A_140 = tpu.matmul %get3A_1, %get3A_135, %dot_general3A_139 {dimension_numbers = #tpu.dot_dimension_numbers<[1], [1], [0], [0], [0, 0, 1, 0], [], []>, transpose_lhs_hint = false} : vector<256x256xf32>, vector<512x256xf32>, vector<256x512xf32> -> vector<256x512xf32>
    %broadcast_in_dim3A_141 = vector.shape_cast %reduce_sum3A_2 : vector<256xf32> to vector<256x1xf32>
    %broadcast_in_dim3A_142 = vector.shape_cast %reduce_sum3A_138 : vector<512xf32> to vector<1x512xf32>
    %add3A_143 = vector.broadcast %broadcast_in_dim3A_141 : vector<256x1xf32> to vector<256x512xf32>
    %add3A_144 = vector.broadcast %broadcast_in_dim3A_142 : vector<1x512xf32> to vector<256x512xf32>
    %add3A_145 = arith.addf %add3A_143, %add3A_144 : vector<256x512xf32>
    %mul3A_146 = arith.constant 2.000000e+00 : f32
    %mul3A_147 = vector.broadcast %mul3A_146 : f32 to vector<256x512xf32>
    %mul3A_148 = arith.mulf %mul3A_147, %dot_general3A_140 : vector<256x512xf32>
    %sub3A_149 = arith.subf %add3A_145, %mul3A_148 : vector<256x512xf32>
    %reduce_min3A_150 = arith.constant dense<0x7F800000> : vector<256xf32>
    %reduce_min3A_151 = vector.multi_reduction <minimumf>, %sub3A_149, %reduce_min3A_150 [1] : vector<256x512xf32> to vector<256xf32>
    %iota3A_152 = tpu.iota {dimensions = array<i32: 1>} : vector<256x512xi32>
    %broadcast_in_dim3A_153 = vector.shape_cast %reduce_min3A_151 : vector<256xf32> to vector<256x1xf32>
    %eq3A_154 = vector.broadcast %broadcast_in_dim3A_153 : vector<256x1xf32> to vector<256x512xf32>
    %eq3A_155 = arith.cmpf oeq, %sub3A_149, %eq3A_154 : vector<256x512xf32>
    %jit3A_156 = arith.constant 512 : i32
    %broadcast_in_dim3A_157 = vector.broadcast %jit3A_156 : i32 to vector<256x512xi32>
    %select_n3A_158 = arith.select %eq3A_155, %iota3A_152, %broadcast_in_dim3A_157 : vector<256x512xi1>, vector<256x512xi32>
    %reduce_min3A_159 = arith.constant dense<2147483647> : vector<256xi32>
    %reduce_min3A_160 = vector.multi_reduction <minsi>, %select_n3A_158, %reduce_min3A_159 [1] : vector<256x512xi32> to vector<256xi32>
    %add3A_161 = arith.constant 2048 : i32
    %add3A_162 = vector.broadcast %add3A_161 : i32 to vector<256xi32>
    %add3A_163 = arith.addi %reduce_min3A_160, %add3A_162 : vector<256xi32>
    %lt3A_164 = arith.cmpf olt, %reduce_min3A_151, %select_n3A_132 : vector<256xf32>
    %select_n3A_165 = arith.select %lt3A_164, %add3A_163, %select_n3A_131 : vector<256xi1>, vector<256xi32>
    %select_n3A_166 = arith.select %lt3A_164, %reduce_min3A_151, %select_n3A_132 : vector<256xi1>, vector<256xf32>
    %get3A_167 = arith.constant 2560 : index
    %get3A_168 = arith.constant 0 : index
    %get3A_169 = vector.load %arg2[%get3A_167, %get3A_168] : memref<8192x256xf32, #tpu.memory_space<vmem>>, vector<512x256xf32>
    %mul3A_170 = arith.mulf %get3A_169, %get3A_169 : vector<512x256xf32>
    %reduce_sum3A_171 = arith.constant dense<0.000000e+00> : vector<512xf32>
    %reduce_sum3A_172 = vector.multi_reduction <add>, %mul3A_170, %reduce_sum3A_171 [1] : vector<512x256xf32> to vector<512xf32>
    %dot_general3A_173 = arith.constant dense<0.000000e+00> : vector<256x512xf32>
    %dot_general3A_174 = tpu.matmul %get3A_1, %get3A_169, %dot_general3A_173 {dimension_numbers = #tpu.dot_dimension_numbers<[1], [1], [0], [0], [0, 0, 1, 0], [], []>, transpose_lhs_hint = false} : vector<256x256xf32>, vector<512x256xf32>, vector<256x512xf32> -> vector<256x512xf32>
    %broadcast_in_dim3A_175 = vector.shape_cast %reduce_sum3A_2 : vector<256xf32> to vector<256x1xf32>
    %broadcast_in_dim3A_176 = vector.shape_cast %reduce_sum3A_172 : vector<512xf32> to vector<1x512xf32>
    %add3A_177 = vector.broadcast %broadcast_in_dim3A_175 : vector<256x1xf32> to vector<256x512xf32>
    %add3A_178 = vector.broadcast %broadcast_in_dim3A_176 : vector<1x512xf32> to vector<256x512xf32>
    %add3A_179 = arith.addf %add3A_177, %add3A_178 : vector<256x512xf32>
    %mul3A_180 = arith.constant 2.000000e+00 : f32
    %mul3A_181 = vector.broadcast %mul3A_180 : f32 to vector<256x512xf32>
    %mul3A_182 = arith.mulf %mul3A_181, %dot_general3A_174 : vector<256x512xf32>
    %sub3A_183 = arith.subf %add3A_179, %mul3A_182 : vector<256x512xf32>
    %reduce_min3A_184 = arith.constant dense<0x7F800000> : vector<256xf32>
    %reduce_min3A_185 = vector.multi_reduction <minimumf>, %sub3A_183, %reduce_min3A_184 [1] : vector<256x512xf32> to vector<256xf32>
    %iota3A_186 = tpu.iota {dimensions = array<i32: 1>} : vector<256x512xi32>
    %broadcast_in_dim3A_187 = vector.shape_cast %reduce_min3A_185 : vector<256xf32> to vector<256x1xf32>
    %eq3A_188 = vector.broadcast %broadcast_in_dim3A_187 : vector<256x1xf32> to vector<256x512xf32>
    %eq3A_189 = arith.cmpf oeq, %sub3A_183, %eq3A_188 : vector<256x512xf32>
    %jit3A_190 = arith.constant 512 : i32
    %broadcast_in_dim3A_191 = vector.broadcast %jit3A_190 : i32 to vector<256x512xi32>
    %select_n3A_192 = arith.select %eq3A_189, %iota3A_186, %broadcast_in_dim3A_191 : vector<256x512xi1>, vector<256x512xi32>
    %reduce_min3A_193 = arith.constant dense<2147483647> : vector<256xi32>
    %reduce_min3A_194 = vector.multi_reduction <minsi>, %select_n3A_192, %reduce_min3A_193 [1] : vector<256x512xi32> to vector<256xi32>
    %add3A_195 = arith.constant 2560 : i32
    %add3A_196 = vector.broadcast %add3A_195 : i32 to vector<256xi32>
    %add3A_197 = arith.addi %reduce_min3A_194, %add3A_196 : vector<256xi32>
    %lt3A_198 = arith.cmpf olt, %reduce_min3A_185, %select_n3A_166 : vector<256xf32>
    %select_n3A_199 = arith.select %lt3A_198, %add3A_197, %select_n3A_165 : vector<256xi1>, vector<256xi32>
    %select_n3A_200 = arith.select %lt3A_198, %reduce_min3A_185, %select_n3A_166 : vector<256xi1>, vector<256xf32>
    %get3A_201 = arith.constant 3072 : index
    %get3A_202 = arith.constant 0 : index
    %get3A_203 = vector.load %arg2[%get3A_201, %get3A_202] : memref<8192x256xf32, #tpu.memory_space<vmem>>, vector<512x256xf32>
    %mul3A_204 = arith.mulf %get3A_203, %get3A_203 : vector<512x256xf32>
    %reduce_sum3A_205 = arith.constant dense<0.000000e+00> : vector<512xf32>
    %reduce_sum3A_206 = vector.multi_reduction <add>, %mul3A_204, %reduce_sum3A_205 [1] : vector<512x256xf32> to vector<512xf32>
    %dot_general3A_207 = arith.constant dense<0.000000e+00> : vector<256x512xf32>
    %dot_general3A_208 = tpu.matmul %get3A_1, %get3A_203, %dot_general3A_207 {dimension_numbers = #tpu.dot_dimension_numbers<[1], [1], [0], [0], [0, 0, 1, 0], [], []>, transpose_lhs_hint = false} : vector<256x256xf32>, vector<512x256xf32>, vector<256x512xf32> -> vector<256x512xf32>
    %broadcast_in_dim3A_209 = vector.shape_cast %reduce_sum3A_2 : vector<256xf32> to vector<256x1xf32>
    %broadcast_in_dim3A_210 = vector.shape_cast %reduce_sum3A_206 : vector<512xf32> to vector<1x512xf32>
    %add3A_211 = vector.broadcast %broadcast_in_dim3A_209 : vector<256x1xf32> to vector<256x512xf32>
    %add3A_212 = vector.broadcast %broadcast_in_dim3A_210 : vector<1x512xf32> to vector<256x512xf32>
    %add3A_213 = arith.addf %add3A_211, %add3A_212 : vector<256x512xf32>
    %mul3A_214 = arith.constant 2.000000e+00 : f32
    %mul3A_215 = vector.broadcast %mul3A_214 : f32 to vector<256x512xf32>
    %mul3A_216 = arith.mulf %mul3A_215, %dot_general3A_208 : vector<256x512xf32>
    %sub3A_217 = arith.subf %add3A_213, %mul3A_216 : vector<256x512xf32>
    %reduce_min3A_218 = arith.constant dense<0x7F800000> : vector<256xf32>
    %reduce_min3A_219 = vector.multi_reduction <minimumf>, %sub3A_217, %reduce_min3A_218 [1] : vector<256x512xf32> to vector<256xf32>
    %iota3A_220 = tpu.iota {dimensions = array<i32: 1>} : vector<256x512xi32>
    %broadcast_in_dim3A_221 = vector.shape_cast %reduce_min3A_219 : vector<256xf32> to vector<256x1xf32>
    %eq3A_222 = vector.broadcast %broadcast_in_dim3A_221 : vector<256x1xf32> to vector<256x512xf32>
    %eq3A_223 = arith.cmpf oeq, %sub3A_217, %eq3A_222 : vector<256x512xf32>
    %jit3A_224 = arith.constant 512 : i32
    %broadcast_in_dim3A_225 = vector.broadcast %jit3A_224 : i32 to vector<256x512xi32>
    %select_n3A_226 = arith.select %eq3A_223, %iota3A_220, %broadcast_in_dim3A_225 : vector<256x512xi1>, vector<256x512xi32>
    %reduce_min3A_227 = arith.constant dense<2147483647> : vector<256xi32>
    %reduce_min3A_228 = vector.multi_reduction <minsi>, %select_n3A_226, %reduce_min3A_227 [1] : vector<256x512xi32> to vector<256xi32>
    %add3A_229 = arith.constant 3072 : i32
    %add3A_230 = vector.broadcast %add3A_229 : i32 to vector<256xi32>
    %add3A_231 = arith.addi %reduce_min3A_228, %add3A_230 : vector<256xi32>
    %lt3A_232 = arith.cmpf olt, %reduce_min3A_219, %select_n3A_200 : vector<256xf32>
    %select_n3A_233 = arith.select %lt3A_232, %add3A_231, %select_n3A_199 : vector<256xi1>, vector<256xi32>
    %select_n3A_234 = arith.select %lt3A_232, %reduce_min3A_219, %select_n3A_200 : vector<256xi1>, vector<256xf32>
    %get3A_235 = arith.constant 3584 : index
    %get3A_236 = arith.constant 0 : index
    %get3A_237 = vector.load %arg2[%get3A_235, %get3A_236] : memref<8192x256xf32, #tpu.memory_space<vmem>>, vector<512x256xf32>
    %mul3A_238 = arith.mulf %get3A_237, %get3A_237 : vector<512x256xf32>
    %reduce_sum3A_239 = arith.constant dense<0.000000e+00> : vector<512xf32>
    %reduce_sum3A_240 = vector.multi_reduction <add>, %mul3A_238, %reduce_sum3A_239 [1] : vector<512x256xf32> to vector<512xf32>
    %dot_general3A_241 = arith.constant dense<0.000000e+00> : vector<256x512xf32>
    %dot_general3A_242 = tpu.matmul %get3A_1, %get3A_237, %dot_general3A_241 {dimension_numbers = #tpu.dot_dimension_numbers<[1], [1], [0], [0], [0, 0, 1, 0], [], []>, transpose_lhs_hint = false} : vector<256x256xf32>, vector<512x256xf32>, vector<256x512xf32> -> vector<256x512xf32>
    %broadcast_in_dim3A_243 = vector.shape_cast %reduce_sum3A_2 : vector<256xf32> to vector<256x1xf32>
    %broadcast_in_dim3A_244 = vector.shape_cast %reduce_sum3A_240 : vector<512xf32> to vector<1x512xf32>
    %add3A_245 = vector.broadcast %broadcast_in_dim3A_243 : vector<256x1xf32> to vector<256x512xf32>
    %add3A_246 = vector.broadcast %broadcast_in_dim3A_244 : vector<1x512xf32> to vector<256x512xf32>
    %add3A_247 = arith.addf %add3A_245, %add3A_246 : vector<256x512xf32>
    %mul3A_248 = arith.constant 2.000000e+00 : f32
    %mul3A_249 = vector.broadcast %mul3A_248 : f32 to vector<256x512xf32>
    %mul3A_250 = arith.mulf %mul3A_249, %dot_general3A_242 : vector<256x512xf32>
    %sub3A_251 = arith.subf %add3A_247, %mul3A_250 : vector<256x512xf32>
    %reduce_min3A_252 = arith.constant dense<0x7F800000> : vector<256xf32>
    %reduce_min3A_253 = vector.multi_reduction <minimumf>, %sub3A_251, %reduce_min3A_252 [1] : vector<256x512xf32> to vector<256xf32>
    %iota3A_254 = tpu.iota {dimensions = array<i32: 1>} : vector<256x512xi32>
    %broadcast_in_dim3A_255 = vector.shape_cast %reduce_min3A_253 : vector<256xf32> to vector<256x1xf32>
    %eq3A_256 = vector.broadcast %broadcast_in_dim3A_255 : vector<256x1xf32> to vector<256x512xf32>
    %eq3A_257 = arith.cmpf oeq, %sub3A_251, %eq3A_256 : vector<256x512xf32>
    %jit3A_258 = arith.constant 512 : i32
    %broadcast_in_dim3A_259 = vector.broadcast %jit3A_258 : i32 to vector<256x512xi32>
    %select_n3A_260 = arith.select %eq3A_257, %iota3A_254, %broadcast_in_dim3A_259 : vector<256x512xi1>, vector<256x512xi32>
    %reduce_min3A_261 = arith.constant dense<2147483647> : vector<256xi32>
    %reduce_min3A_262 = vector.multi_reduction <minsi>, %select_n3A_260, %reduce_min3A_261 [1] : vector<256x512xi32> to vector<256xi32>
    %add3A_263 = arith.constant 3584 : i32
    %add3A_264 = vector.broadcast %add3A_263 : i32 to vector<256xi32>
    %add3A_265 = arith.addi %reduce_min3A_262, %add3A_264 : vector<256xi32>
    %lt3A_266 = arith.cmpf olt, %reduce_min3A_253, %select_n3A_234 : vector<256xf32>
    %select_n3A_267 = arith.select %lt3A_266, %add3A_265, %select_n3A_233 : vector<256xi1>, vector<256xi32>
    %select_n3A_268 = arith.select %lt3A_266, %reduce_min3A_253, %select_n3A_234 : vector<256xi1>, vector<256xf32>
    %get3A_269 = arith.constant 4096 : index
    %get3A_270 = arith.constant 0 : index
    %get3A_271 = vector.load %arg2[%get3A_269, %get3A_270] : memref<8192x256xf32, #tpu.memory_space<vmem>>, vector<512x256xf32>
    %mul3A_272 = arith.mulf %get3A_271, %get3A_271 : vector<512x256xf32>
    %reduce_sum3A_273 = arith.constant dense<0.000000e+00> : vector<512xf32>
    %reduce_sum3A_274 = vector.multi_reduction <add>, %mul3A_272, %reduce_sum3A_273 [1] : vector<512x256xf32> to vector<512xf32>
    %dot_general3A_275 = arith.constant dense<0.000000e+00> : vector<256x512xf32>
    %dot_general3A_276 = tpu.matmul %get3A_1, %get3A_271, %dot_general3A_275 {dimension_numbers = #tpu.dot_dimension_numbers<[1], [1], [0], [0], [0, 0, 1, 0], [], []>, transpose_lhs_hint = false} : vector<256x256xf32>, vector<512x256xf32>, vector<256x512xf32> -> vector<256x512xf32>
    %broadcast_in_dim3A_277 = vector.shape_cast %reduce_sum3A_2 : vector<256xf32> to vector<256x1xf32>
    %broadcast_in_dim3A_278 = vector.shape_cast %reduce_sum3A_274 : vector<512xf32> to vector<1x512xf32>
    %add3A_279 = vector.broadcast %broadcast_in_dim3A_277 : vector<256x1xf32> to vector<256x512xf32>
    %add3A_280 = vector.broadcast %broadcast_in_dim3A_278 : vector<1x512xf32> to vector<256x512xf32>
    %add3A_281 = arith.addf %add3A_279, %add3A_280 : vector<256x512xf32>
    %mul3A_282 = arith.constant 2.000000e+00 : f32
    %mul3A_283 = vector.broadcast %mul3A_282 : f32 to vector<256x512xf32>
    %mul3A_284 = arith.mulf %mul3A_283, %dot_general3A_276 : vector<256x512xf32>
    %sub3A_285 = arith.subf %add3A_281, %mul3A_284 : vector<256x512xf32>
    %reduce_min3A_286 = arith.constant dense<0x7F800000> : vector<256xf32>
    %reduce_min3A_287 = vector.multi_reduction <minimumf>, %sub3A_285, %reduce_min3A_286 [1] : vector<256x512xf32> to vector<256xf32>
    %iota3A_288 = tpu.iota {dimensions = array<i32: 1>} : vector<256x512xi32>
    %broadcast_in_dim3A_289 = vector.shape_cast %reduce_min3A_287 : vector<256xf32> to vector<256x1xf32>
    %eq3A_290 = vector.broadcast %broadcast_in_dim3A_289 : vector<256x1xf32> to vector<256x512xf32>
    %eq3A_291 = arith.cmpf oeq, %sub3A_285, %eq3A_290 : vector<256x512xf32>
    %jit3A_292 = arith.constant 512 : i32
    %broadcast_in_dim3A_293 = vector.broadcast %jit3A_292 : i32 to vector<256x512xi32>
    %select_n3A_294 = arith.select %eq3A_291, %iota3A_288, %broadcast_in_dim3A_293 : vector<256x512xi1>, vector<256x512xi32>
    %reduce_min3A_295 = arith.constant dense<2147483647> : vector<256xi32>
    %reduce_min3A_296 = vector.multi_reduction <minsi>, %select_n3A_294, %reduce_min3A_295 [1] : vector<256x512xi32> to vector<256xi32>
    %add3A_297 = arith.constant 4096 : i32
    %add3A_298 = vector.broadcast %add3A_297 : i32 to vector<256xi32>
    %add3A_299 = arith.addi %reduce_min3A_296, %add3A_298 : vector<256xi32>
    %lt3A_300 = arith.cmpf olt, %reduce_min3A_287, %select_n3A_268 : vector<256xf32>
    %select_n3A_301 = arith.select %lt3A_300, %add3A_299, %select_n3A_267 : vector<256xi1>, vector<256xi32>
    %select_n3A_302 = arith.select %lt3A_300, %reduce_min3A_287, %select_n3A_268 : vector<256xi1>, vector<256xf32>
    %get3A_303 = arith.constant 4608 : index
    %get3A_304 = arith.constant 0 : index
    %get3A_305 = vector.load %arg2[%get3A_303, %get3A_304] : memref<8192x256xf32, #tpu.memory_space<vmem>>, vector<512x256xf32>
    %mul3A_306 = arith.mulf %get3A_305, %get3A_305 : vector<512x256xf32>
    %reduce_sum3A_307 = arith.constant dense<0.000000e+00> : vector<512xf32>
    %reduce_sum3A_308 = vector.multi_reduction <add>, %mul3A_306, %reduce_sum3A_307 [1] : vector<512x256xf32> to vector<512xf32>
    %dot_general3A_309 = arith.constant dense<0.000000e+00> : vector<256x512xf32>
    %dot_general3A_310 = tpu.matmul %get3A_1, %get3A_305, %dot_general3A_309 {dimension_numbers = #tpu.dot_dimension_numbers<[1], [1], [0], [0], [0, 0, 1, 0], [], []>, transpose_lhs_hint = false} : vector<256x256xf32>, vector<512x256xf32>, vector<256x512xf32> -> vector<256x512xf32>
    %broadcast_in_dim3A_311 = vector.shape_cast %reduce_sum3A_2 : vector<256xf32> to vector<256x1xf32>
    %broadcast_in_dim3A_312 = vector.shape_cast %reduce_sum3A_308 : vector<512xf32> to vector<1x512xf32>
    %add3A_313 = vector.broadcast %broadcast_in_dim3A_311 : vector<256x1xf32> to vector<256x512xf32>
    %add3A_314 = vector.broadcast %broadcast_in_dim3A_312 : vector<1x512xf32> to vector<256x512xf32>
    %add3A_315 = arith.addf %add3A_313, %add3A_314 : vector<256x512xf32>
    %mul3A_316 = arith.constant 2.000000e+00 : f32
    %mul3A_317 = vector.broadcast %mul3A_316 : f32 to vector<256x512xf32>
    %mul3A_318 = arith.mulf %mul3A_317, %dot_general3A_310 : vector<256x512xf32>
    %sub3A_319 = arith.subf %add3A_315, %mul3A_318 : vector<256x512xf32>
    %reduce_min3A_320 = arith.constant dense<0x7F800000> : vector<256xf32>
    %reduce_min3A_321 = vector.multi_reduction <minimumf>, %sub3A_319, %reduce_min3A_320 [1] : vector<256x512xf32> to vector<256xf32>
    %iota3A_322 = tpu.iota {dimensions = array<i32: 1>} : vector<256x512xi32>
    %broadcast_in_dim3A_323 = vector.shape_cast %reduce_min3A_321 : vector<256xf32> to vector<256x1xf32>
    %eq3A_324 = vector.broadcast %broadcast_in_dim3A_323 : vector<256x1xf32> to vector<256x512xf32>
    %eq3A_325 = arith.cmpf oeq, %sub3A_319, %eq3A_324 : vector<256x512xf32>
    %jit3A_326 = arith.constant 512 : i32
    %broadcast_in_dim3A_327 = vector.broadcast %jit3A_326 : i32 to vector<256x512xi32>
    %select_n3A_328 = arith.select %eq3A_325, %iota3A_322, %broadcast_in_dim3A_327 : vector<256x512xi1>, vector<256x512xi32>
    %reduce_min3A_329 = arith.constant dense<2147483647> : vector<256xi32>
    %reduce_min3A_330 = vector.multi_reduction <minsi>, %select_n3A_328, %reduce_min3A_329 [1] : vector<256x512xi32> to vector<256xi32>
    %add3A_331 = arith.constant 4608 : i32
    %add3A_332 = vector.broadcast %add3A_331 : i32 to vector<256xi32>
    %add3A_333 = arith.addi %reduce_min3A_330, %add3A_332 : vector<256xi32>
    %lt3A_334 = arith.cmpf olt, %reduce_min3A_321, %select_n3A_302 : vector<256xf32>
    %select_n3A_335 = arith.select %lt3A_334, %add3A_333, %select_n3A_301 : vector<256xi1>, vector<256xi32>
    %select_n3A_336 = arith.select %lt3A_334, %reduce_min3A_321, %select_n3A_302 : vector<256xi1>, vector<256xf32>
    %get3A_337 = arith.constant 5120 : index
    %get3A_338 = arith.constant 0 : index
    %get3A_339 = vector.load %arg2[%get3A_337, %get3A_338] : memref<8192x256xf32, #tpu.memory_space<vmem>>, vector<512x256xf32>
    %mul3A_340 = arith.mulf %get3A_339, %get3A_339 : vector<512x256xf32>
    %reduce_sum3A_341 = arith.constant dense<0.000000e+00> : vector<512xf32>
    %reduce_sum3A_342 = vector.multi_reduction <add>, %mul3A_340, %reduce_sum3A_341 [1] : vector<512x256xf32> to vector<512xf32>
    %dot_general3A_343 = arith.constant dense<0.000000e+00> : vector<256x512xf32>
    %dot_general3A_344 = tpu.matmul %get3A_1, %get3A_339, %dot_general3A_343 {dimension_numbers = #tpu.dot_dimension_numbers<[1], [1], [0], [0], [0, 0, 1, 0], [], []>, transpose_lhs_hint = false} : vector<256x256xf32>, vector<512x256xf32>, vector<256x512xf32> -> vector<256x512xf32>
    %broadcast_in_dim3A_345 = vector.shape_cast %reduce_sum3A_2 : vector<256xf32> to vector<256x1xf32>
    %broadcast_in_dim3A_346 = vector.shape_cast %reduce_sum3A_342 : vector<512xf32> to vector<1x512xf32>
    %add3A_347 = vector.broadcast %broadcast_in_dim3A_345 : vector<256x1xf32> to vector<256x512xf32>
    %add3A_348 = vector.broadcast %broadcast_in_dim3A_346 : vector<1x512xf32> to vector<256x512xf32>
    %add3A_349 = arith.addf %add3A_347, %add3A_348 : vector<256x512xf32>
    %mul3A_350 = arith.constant 2.000000e+00 : f32
    %mul3A_351 = vector.broadcast %mul3A_350 : f32 to vector<256x512xf32>
    %mul3A_352 = arith.mulf %mul3A_351, %dot_general3A_344 : vector<256x512xf32>
    %sub3A_353 = arith.subf %add3A_349, %mul3A_352 : vector<256x512xf32>
    %reduce_min3A_354 = arith.constant dense<0x7F800000> : vector<256xf32>
    %reduce_min3A_355 = vector.multi_reduction <minimumf>, %sub3A_353, %reduce_min3A_354 [1] : vector<256x512xf32> to vector<256xf32>
    %iota3A_356 = tpu.iota {dimensions = array<i32: 1>} : vector<256x512xi32>
    %broadcast_in_dim3A_357 = vector.shape_cast %reduce_min3A_355 : vector<256xf32> to vector<256x1xf32>
    %eq3A_358 = vector.broadcast %broadcast_in_dim3A_357 : vector<256x1xf32> to vector<256x512xf32>
    %eq3A_359 = arith.cmpf oeq, %sub3A_353, %eq3A_358 : vector<256x512xf32>
    %jit3A_360 = arith.constant 512 : i32
    %broadcast_in_dim3A_361 = vector.broadcast %jit3A_360 : i32 to vector<256x512xi32>
    %select_n3A_362 = arith.select %eq3A_359, %iota3A_356, %broadcast_in_dim3A_361 : vector<256x512xi1>, vector<256x512xi32>
    %reduce_min3A_363 = arith.constant dense<2147483647> : vector<256xi32>
    %reduce_min3A_364 = vector.multi_reduction <minsi>, %select_n3A_362, %reduce_min3A_363 [1] : vector<256x512xi32> to vector<256xi32>
    %add3A_365 = arith.constant 5120 : i32
    %add3A_366 = vector.broadcast %add3A_365 : i32 to vector<256xi32>
    %add3A_367 = arith.addi %reduce_min3A_364, %add3A_366 : vector<256xi32>
    %lt3A_368 = arith.cmpf olt, %reduce_min3A_355, %select_n3A_336 : vector<256xf32>
    %select_n3A_369 = arith.select %lt3A_368, %add3A_367, %select_n3A_335 : vector<256xi1>, vector<256xi32>
    %select_n3A_370 = arith.select %lt3A_368, %reduce_min3A_355, %select_n3A_336 : vector<256xi1>, vector<256xf32>
    %get3A_371 = arith.constant 5632 : index
    %get3A_372 = arith.constant 0 : index
    %get3A_373 = vector.load %arg2[%get3A_371, %get3A_372] : memref<8192x256xf32, #tpu.memory_space<vmem>>, vector<512x256xf32>
    %mul3A_374 = arith.mulf %get3A_373, %get3A_373 : vector<512x256xf32>
    %reduce_sum3A_375 = arith.constant dense<0.000000e+00> : vector<512xf32>
    %reduce_sum3A_376 = vector.multi_reduction <add>, %mul3A_374, %reduce_sum3A_375 [1] : vector<512x256xf32> to vector<512xf32>
    %dot_general3A_377 = arith.constant dense<0.000000e+00> : vector<256x512xf32>
    %dot_general3A_378 = tpu.matmul %get3A_1, %get3A_373, %dot_general3A_377 {dimension_numbers = #tpu.dot_dimension_numbers<[1], [1], [0], [0], [0, 0, 1, 0], [], []>, transpose_lhs_hint = false} : vector<256x256xf32>, vector<512x256xf32>, vector<256x512xf32> -> vector<256x512xf32>
    %broadcast_in_dim3A_379 = vector.shape_cast %reduce_sum3A_2 : vector<256xf32> to vector<256x1xf32>
    %broadcast_in_dim3A_380 = vector.shape_cast %reduce_sum3A_376 : vector<512xf32> to vector<1x512xf32>
    %add3A_381 = vector.broadcast %broadcast_in_dim3A_379 : vector<256x1xf32> to vector<256x512xf32>
    %add3A_382 = vector.broadcast %broadcast_in_dim3A_380 : vector<1x512xf32> to vector<256x512xf32>
    %add3A_383 = arith.addf %add3A_381, %add3A_382 : vector<256x512xf32>
    %mul3A_384 = arith.constant 2.000000e+00 : f32
    %mul3A_385 = vector.broadcast %mul3A_384 : f32 to vector<256x512xf32>
    %mul3A_386 = arith.mulf %mul3A_385, %dot_general3A_378 : vector<256x512xf32>
    %sub3A_387 = arith.subf %add3A_383, %mul3A_386 : vector<256x512xf32>
    %reduce_min3A_388 = arith.constant dense<0x7F800000> : vector<256xf32>
    %reduce_min3A_389 = vector.multi_reduction <minimumf>, %sub3A_387, %reduce_min3A_388 [1] : vector<256x512xf32> to vector<256xf32>
    %iota3A_390 = tpu.iota {dimensions = array<i32: 1>} : vector<256x512xi32>
    %broadcast_in_dim3A_391 = vector.shape_cast %reduce_min3A_389 : vector<256xf32> to vector<256x1xf32>
    %eq3A_392 = vector.broadcast %broadcast_in_dim3A_391 : vector<256x1xf32> to vector<256x512xf32>
    %eq3A_393 = arith.cmpf oeq, %sub3A_387, %eq3A_392 : vector<256x512xf32>
    %jit3A_394 = arith.constant 512 : i32
    %broadcast_in_dim3A_395 = vector.broadcast %jit3A_394 : i32 to vector<256x512xi32>
    %select_n3A_396 = arith.select %eq3A_393, %iota3A_390, %broadcast_in_dim3A_395 : vector<256x512xi1>, vector<256x512xi32>
    %reduce_min3A_397 = arith.constant dense<2147483647> : vector<256xi32>
    %reduce_min3A_398 = vector.multi_reduction <minsi>, %select_n3A_396, %reduce_min3A_397 [1] : vector<256x512xi32> to vector<256xi32>
    %add3A_399 = arith.constant 5632 : i32
    %add3A_400 = vector.broadcast %add3A_399 : i32 to vector<256xi32>
    %add3A_401 = arith.addi %reduce_min3A_398, %add3A_400 : vector<256xi32>
    %lt3A_402 = arith.cmpf olt, %reduce_min3A_389, %select_n3A_370 : vector<256xf32>
    %select_n3A_403 = arith.select %lt3A_402, %add3A_401, %select_n3A_369 : vector<256xi1>, vector<256xi32>
    %select_n3A_404 = arith.select %lt3A_402, %reduce_min3A_389, %select_n3A_370 : vector<256xi1>, vector<256xf32>
    %get3A_405 = arith.constant 6144 : index
    %get3A_406 = arith.constant 0 : index
    %get3A_407 = vector.load %arg2[%get3A_405, %get3A_406] : memref<8192x256xf32, #tpu.memory_space<vmem>>, vector<512x256xf32>
    %mul3A_408 = arith.mulf %get3A_407, %get3A_407 : vector<512x256xf32>
    %reduce_sum3A_409 = arith.constant dense<0.000000e+00> : vector<512xf32>
    %reduce_sum3A_410 = vector.multi_reduction <add>, %mul3A_408, %reduce_sum3A_409 [1] : vector<512x256xf32> to vector<512xf32>
    %dot_general3A_411 = arith.constant dense<0.000000e+00> : vector<256x512xf32>
    %dot_general3A_412 = tpu.matmul %get3A_1, %get3A_407, %dot_general3A_411 {dimension_numbers = #tpu.dot_dimension_numbers<[1], [1], [0], [0], [0, 0, 1, 0], [], []>, transpose_lhs_hint = false} : vector<256x256xf32>, vector<512x256xf32>, vector<256x512xf32> -> vector<256x512xf32>
    %broadcast_in_dim3A_413 = vector.shape_cast %reduce_sum3A_2 : vector<256xf32> to vector<256x1xf32>
    %broadcast_in_dim3A_414 = vector.shape_cast %reduce_sum3A_410 : vector<512xf32> to vector<1x512xf32>
    %add3A_415 = vector.broadcast %broadcast_in_dim3A_413 : vector<256x1xf32> to vector<256x512xf32>
    %add3A_416 = vector.broadcast %broadcast_in_dim3A_414 : vector<1x512xf32> to vector<256x512xf32>
    %add3A_417 = arith.addf %add3A_415, %add3A_416 : vector<256x512xf32>
    %mul3A_418 = arith.constant 2.000000e+00 : f32
    %mul3A_419 = vector.broadcast %mul3A_418 : f32 to vector<256x512xf32>
    %mul3A_420 = arith.mulf %mul3A_419, %dot_general3A_412 : vector<256x512xf32>
    %sub3A_421 = arith.subf %add3A_417, %mul3A_420 : vector<256x512xf32>
    %reduce_min3A_422 = arith.constant dense<0x7F800000> : vector<256xf32>
    %reduce_min3A_423 = vector.multi_reduction <minimumf>, %sub3A_421, %reduce_min3A_422 [1] : vector<256x512xf32> to vector<256xf32>
    %iota3A_424 = tpu.iota {dimensions = array<i32: 1>} : vector<256x512xi32>
    %broadcast_in_dim3A_425 = vector.shape_cast %reduce_min3A_423 : vector<256xf32> to vector<256x1xf32>
    %eq3A_426 = vector.broadcast %broadcast_in_dim3A_425 : vector<256x1xf32> to vector<256x512xf32>
    %eq3A_427 = arith.cmpf oeq, %sub3A_421, %eq3A_426 : vector<256x512xf32>
    %jit3A_428 = arith.constant 512 : i32
    %broadcast_in_dim3A_429 = vector.broadcast %jit3A_428 : i32 to vector<256x512xi32>
    %select_n3A_430 = arith.select %eq3A_427, %iota3A_424, %broadcast_in_dim3A_429 : vector<256x512xi1>, vector<256x512xi32>
    %reduce_min3A_431 = arith.constant dense<2147483647> : vector<256xi32>
    %reduce_min3A_432 = vector.multi_reduction <minsi>, %select_n3A_430, %reduce_min3A_431 [1] : vector<256x512xi32> to vector<256xi32>
    %add3A_433 = arith.constant 6144 : i32
    %add3A_434 = vector.broadcast %add3A_433 : i32 to vector<256xi32>
    %add3A_435 = arith.addi %reduce_min3A_432, %add3A_434 : vector<256xi32>
    %lt3A_436 = arith.cmpf olt, %reduce_min3A_423, %select_n3A_404 : vector<256xf32>
    %select_n3A_437 = arith.select %lt3A_436, %add3A_435, %select_n3A_403 : vector<256xi1>, vector<256xi32>
    %select_n3A_438 = arith.select %lt3A_436, %reduce_min3A_423, %select_n3A_404 : vector<256xi1>, vector<256xf32>
    %get3A_439 = arith.constant 6656 : index
    %get3A_440 = arith.constant 0 : index
    %get3A_441 = vector.load %arg2[%get3A_439, %get3A_440] : memref<8192x256xf32, #tpu.memory_space<vmem>>, vector<512x256xf32>
    %mul3A_442 = arith.mulf %get3A_441, %get3A_441 : vector<512x256xf32>
    %reduce_sum3A_443 = arith.constant dense<0.000000e+00> : vector<512xf32>
    %reduce_sum3A_444 = vector.multi_reduction <add>, %mul3A_442, %reduce_sum3A_443 [1] : vector<512x256xf32> to vector<512xf32>
    %dot_general3A_445 = arith.constant dense<0.000000e+00> : vector<256x512xf32>
    %dot_general3A_446 = tpu.matmul %get3A_1, %get3A_441, %dot_general3A_445 {dimension_numbers = #tpu.dot_dimension_numbers<[1], [1], [0], [0], [0, 0, 1, 0], [], []>, transpose_lhs_hint = false} : vector<256x256xf32>, vector<512x256xf32>, vector<256x512xf32> -> vector<256x512xf32>
    %broadcast_in_dim3A_447 = vector.shape_cast %reduce_sum3A_2 : vector<256xf32> to vector<256x1xf32>
    %broadcast_in_dim3A_448 = vector.shape_cast %reduce_sum3A_444 : vector<512xf32> to vector<1x512xf32>
    %add3A_449 = vector.broadcast %broadcast_in_dim3A_447 : vector<256x1xf32> to vector<256x512xf32>
    %add3A_450 = vector.broadcast %broadcast_in_dim3A_448 : vector<1x512xf32> to vector<256x512xf32>
    %add3A_451 = arith.addf %add3A_449, %add3A_450 : vector<256x512xf32>
    %mul3A_452 = arith.constant 2.000000e+00 : f32
    %mul3A_453 = vector.broadcast %mul3A_452 : f32 to vector<256x512xf32>
    %mul3A_454 = arith.mulf %mul3A_453, %dot_general3A_446 : vector<256x512xf32>
    %sub3A_455 = arith.subf %add3A_451, %mul3A_454 : vector<256x512xf32>
    %reduce_min3A_456 = arith.constant dense<0x7F800000> : vector<256xf32>
    %reduce_min3A_457 = vector.multi_reduction <minimumf>, %sub3A_455, %reduce_min3A_456 [1] : vector<256x512xf32> to vector<256xf32>
    %iota3A_458 = tpu.iota {dimensions = array<i32: 1>} : vector<256x512xi32>
    %broadcast_in_dim3A_459 = vector.shape_cast %reduce_min3A_457 : vector<256xf32> to vector<256x1xf32>
    %eq3A_460 = vector.broadcast %broadcast_in_dim3A_459 : vector<256x1xf32> to vector<256x512xf32>
    %eq3A_461 = arith.cmpf oeq, %sub3A_455, %eq3A_460 : vector<256x512xf32>
    %jit3A_462 = arith.constant 512 : i32
    %broadcast_in_dim3A_463 = vector.broadcast %jit3A_462 : i32 to vector<256x512xi32>
    %select_n3A_464 = arith.select %eq3A_461, %iota3A_458, %broadcast_in_dim3A_463 : vector<256x512xi1>, vector<256x512xi32>
    %reduce_min3A_465 = arith.constant dense<2147483647> : vector<256xi32>
    %reduce_min3A_466 = vector.multi_reduction <minsi>, %select_n3A_464, %reduce_min3A_465 [1] : vector<256x512xi32> to vector<256xi32>
    %add3A_467 = arith.constant 6656 : i32
    %add3A_468 = vector.broadcast %add3A_467 : i32 to vector<256xi32>
    %add3A_469 = arith.addi %reduce_min3A_466, %add3A_468 : vector<256xi32>
    %lt3A_470 = arith.cmpf olt, %reduce_min3A_457, %select_n3A_438 : vector<256xf32>
    %select_n3A_471 = arith.select %lt3A_470, %add3A_469, %select_n3A_437 : vector<256xi1>, vector<256xi32>
    %select_n3A_472 = arith.select %lt3A_470, %reduce_min3A_457, %select_n3A_438 : vector<256xi1>, vector<256xf32>
    %get3A_473 = arith.constant 7168 : index
    %get3A_474 = arith.constant 0 : index
    %get3A_475 = vector.load %arg2[%get3A_473, %get3A_474] : memref<8192x256xf32, #tpu.memory_space<vmem>>, vector<512x256xf32>
    %mul3A_476 = arith.mulf %get3A_475, %get3A_475 : vector<512x256xf32>
    %reduce_sum3A_477 = arith.constant dense<0.000000e+00> : vector<512xf32>
    %reduce_sum3A_478 = vector.multi_reduction <add>, %mul3A_476, %reduce_sum3A_477 [1] : vector<512x256xf32> to vector<512xf32>
    %dot_general3A_479 = arith.constant dense<0.000000e+00> : vector<256x512xf32>
    %dot_general3A_480 = tpu.matmul %get3A_1, %get3A_475, %dot_general3A_479 {dimension_numbers = #tpu.dot_dimension_numbers<[1], [1], [0], [0], [0, 0, 1, 0], [], []>, transpose_lhs_hint = false} : vector<256x256xf32>, vector<512x256xf32>, vector<256x512xf32> -> vector<256x512xf32>
    %broadcast_in_dim3A_481 = vector.shape_cast %reduce_sum3A_2 : vector<256xf32> to vector<256x1xf32>
    %broadcast_in_dim3A_482 = vector.shape_cast %reduce_sum3A_478 : vector<512xf32> to vector<1x512xf32>
    %add3A_483 = vector.broadcast %broadcast_in_dim3A_481 : vector<256x1xf32> to vector<256x512xf32>
    %add3A_484 = vector.broadcast %broadcast_in_dim3A_482 : vector<1x512xf32> to vector<256x512xf32>
    %add3A_485 = arith.addf %add3A_483, %add3A_484 : vector<256x512xf32>
    %mul3A_486 = arith.constant 2.000000e+00 : f32
    %mul3A_487 = vector.broadcast %mul3A_486 : f32 to vector<256x512xf32>
    %mul3A_488 = arith.mulf %mul3A_487, %dot_general3A_480 : vector<256x512xf32>
    %sub3A_489 = arith.subf %add3A_485, %mul3A_488 : vector<256x512xf32>
    %reduce_min3A_490 = arith.constant dense<0x7F800000> : vector<256xf32>
    %reduce_min3A_491 = vector.multi_reduction <minimumf>, %sub3A_489, %reduce_min3A_490 [1] : vector<256x512xf32> to vector<256xf32>
    %iota3A_492 = tpu.iota {dimensions = array<i32: 1>} : vector<256x512xi32>
    %broadcast_in_dim3A_493 = vector.shape_cast %reduce_min3A_491 : vector<256xf32> to vector<256x1xf32>
    %eq3A_494 = vector.broadcast %broadcast_in_dim3A_493 : vector<256x1xf32> to vector<256x512xf32>
    %eq3A_495 = arith.cmpf oeq, %sub3A_489, %eq3A_494 : vector<256x512xf32>
    %jit3A_496 = arith.constant 512 : i32
    %broadcast_in_dim3A_497 = vector.broadcast %jit3A_496 : i32 to vector<256x512xi32>
    %select_n3A_498 = arith.select %eq3A_495, %iota3A_492, %broadcast_in_dim3A_497 : vector<256x512xi1>, vector<256x512xi32>
    %reduce_min3A_499 = arith.constant dense<2147483647> : vector<256xi32>
    %reduce_min3A_500 = vector.multi_reduction <minsi>, %select_n3A_498, %reduce_min3A_499 [1] : vector<256x512xi32> to vector<256xi32>
    %add3A_501 = arith.constant 7168 : i32
    %add3A_502 = vector.broadcast %add3A_501 : i32 to vector<256xi32>
    %add3A_503 = arith.addi %reduce_min3A_500, %add3A_502 : vector<256xi32>
    %lt3A_504 = arith.cmpf olt, %reduce_min3A_491, %select_n3A_472 : vector<256xf32>
    %select_n3A_505 = arith.select %lt3A_504, %add3A_503, %select_n3A_471 : vector<256xi1>, vector<256xi32>
    %select_n3A_506 = arith.select %lt3A_504, %reduce_min3A_491, %select_n3A_472 : vector<256xi1>, vector<256xf32>
    %get3A_507 = arith.constant 7680 : index
    %get3A_508 = arith.constant 0 : index
    %get3A_509 = vector.load %arg2[%get3A_507, %get3A_508] : memref<8192x256xf32, #tpu.memory_space<vmem>>, vector<512x256xf32>
    %mul3A_510 = arith.mulf %get3A_509, %get3A_509 : vector<512x256xf32>
    %reduce_sum3A_511 = arith.constant dense<0.000000e+00> : vector<512xf32>
    %reduce_sum3A_512 = vector.multi_reduction <add>, %mul3A_510, %reduce_sum3A_511 [1] : vector<512x256xf32> to vector<512xf32>
    %dot_general3A_513 = arith.constant dense<0.000000e+00> : vector<256x512xf32>
    %dot_general3A_514 = tpu.matmul %get3A_1, %get3A_509, %dot_general3A_513 {dimension_numbers = #tpu.dot_dimension_numbers<[1], [1], [0], [0], [0, 0, 1, 0], [], []>, transpose_lhs_hint = false} : vector<256x256xf32>, vector<512x256xf32>, vector<256x512xf32> -> vector<256x512xf32>
    %broadcast_in_dim3A_515 = vector.shape_cast %reduce_sum3A_2 : vector<256xf32> to vector<256x1xf32>
    %broadcast_in_dim3A_516 = vector.shape_cast %reduce_sum3A_512 : vector<512xf32> to vector<1x512xf32>
    %add3A_517 = vector.broadcast %broadcast_in_dim3A_515 : vector<256x1xf32> to vector<256x512xf32>
    %add3A_518 = vector.broadcast %broadcast_in_dim3A_516 : vector<1x512xf32> to vector<256x512xf32>
    %add3A_519 = arith.addf %add3A_517, %add3A_518 : vector<256x512xf32>
    %mul3A_520 = arith.constant 2.000000e+00 : f32
    %mul3A_521 = vector.broadcast %mul3A_520 : f32 to vector<256x512xf32>
    %mul3A_522 = arith.mulf %mul3A_521, %dot_general3A_514 : vector<256x512xf32>
    %sub3A_523 = arith.subf %add3A_519, %mul3A_522 : vector<256x512xf32>
    %reduce_min3A_524 = arith.constant dense<0x7F800000> : vector<256xf32>
    %reduce_min3A_525 = vector.multi_reduction <minimumf>, %sub3A_523, %reduce_min3A_524 [1] : vector<256x512xf32> to vector<256xf32>
    %iota3A_526 = tpu.iota {dimensions = array<i32: 1>} : vector<256x512xi32>
    %broadcast_in_dim3A_527 = vector.shape_cast %reduce_min3A_525 : vector<256xf32> to vector<256x1xf32>
    %eq3A_528 = vector.broadcast %broadcast_in_dim3A_527 : vector<256x1xf32> to vector<256x512xf32>
    %eq3A_529 = arith.cmpf oeq, %sub3A_523, %eq3A_528 : vector<256x512xf32>
    %jit3A_530 = arith.constant 512 : i32
    %broadcast_in_dim3A_531 = vector.broadcast %jit3A_530 : i32 to vector<256x512xi32>
    %select_n3A_532 = arith.select %eq3A_529, %iota3A_526, %broadcast_in_dim3A_531 : vector<256x512xi1>, vector<256x512xi32>
    %reduce_min3A_533 = arith.constant dense<2147483647> : vector<256xi32>
    %reduce_min3A_534 = vector.multi_reduction <minsi>, %select_n3A_532, %reduce_min3A_533 [1] : vector<256x512xi32> to vector<256xi32>
    %add3A_535 = arith.constant 7680 : i32
    %add3A_536 = vector.broadcast %add3A_535 : i32 to vector<256xi32>
    %add3A_537 = arith.addi %reduce_min3A_534, %add3A_536 : vector<256xi32>
    %lt3A_538 = arith.cmpf olt, %reduce_min3A_525, %select_n3A_506 : vector<256xf32>
    %select_n3A_539 = arith.select %lt3A_538, %add3A_537, %select_n3A_505 : vector<256xi1>, vector<256xi32>
    %select_n3A_540 = arith.select %lt3A_538, %reduce_min3A_525, %select_n3A_506 : vector<256xi1>, vector<256xf32>
    %swap3A = arith.constant 0 : index
    %swap3A_541 = arith.constant 0 : index
    %swap3A_542 = arith.constant 0 : index
    %swap3A_543 = vector.load %arg3[%swap3A, %swap3A_541, %swap3A_542] : memref<1x1x256xi32, #tpu.memory_space<vmem>>, vector<1x1x256xi32>
    %swap3A_544 = vector.shape_cast %swap3A_543 : vector<1x1x256xi32> to vector<256xi32>
    %swap3A_545 = vector.shape_cast %select_n3A_539 : vector<256xi32> to vector<1x1x256xi32>
    tpu.vector_store %arg3[%swap3A, %swap3A_541, %swap3A_542], %swap3A_545 {strides = array<i32>} : memref<1x1x256xi32, #tpu.memory_space<vmem>>, vector<1x1x256xi32>,
    %iota3A_546 = tpu.iota {dimensions = array<i32: 1>} : vector<256x512xi32>
    %add3A_547 = arith.constant 0 : i32
    %add3A_548 = vector.broadcast %add3A_547 : i32 to vector<256x512xi32>
    %add3A_549 = arith.addi %iota3A_546, %add3A_548 : vector<256x512xi32>
    %broadcast_in_dim3A_550 = vector.shape_cast %select_n3A_539 : vector<256xi32> to vector<256x1xi32>
    %eq3A_551 = vector.broadcast %broadcast_in_dim3A_550 : vector<256x1xi32> to vector<256x512xi32>
    %eq3A_552 = arith.cmpi eq, %add3A_549, %eq3A_551 : vector<256x512xi32>
    %convert_element_type3A = arith.extui %eq3A_552 : vector<256x512xi1> to vector<256x512xi32>
    %convert_element_type3A_553 = arith.sitofp %convert_element_type3A : vector<256x512xi32> to vector<256x512xf32>
    %swap3A_554 = arith.constant 0 : index
    %swap3A_555 = arith.constant 0 : index
    %swap3A_556 = vector.load %arg4[%swap3A_554, %swap3A_555] : memref<256x8192xf32, #tpu.memory_space<vmem>>, vector<256x512xf32>
    tpu.vector_store %arg4[%swap3A_554, %swap3A_555], %convert_element_type3A_553 {strides = array<i32>} : memref<256x8192xf32, #tpu.memory_space<vmem>>, vector<256x512xf32>,
    %reduce_sum3A_557 = arith.constant dense<0.000000e+00> : vector<512xf32>
    %reduce_sum3A_558 = vector.multi_reduction <add>, %convert_element_type3A_553, %reduce_sum3A_557 [0] : vector<256x512xf32> to vector<512xf32>
    %eq3A_559 = arith.constant 0 : i32
    %eq3A_560 = arith.cmpi eq, %arg0, %eq3A_559 : i32
    %convert_element_type3A_561 = arith.extui %eq3A_560 : i1 to i32
    %cond3A = arith.constant 0 : i32
    %cond3A_562 = arith.cmpi ne, %convert_element_type3A_561, %cond3A : i32
    scf.if %cond3A_562 {
      %swap3A_949 = arith.constant 0 : index
      %swap3A_950 = vector.load %arg7[%swap3A_949] : memref<8192xf32, #tpu.memory_space<vmem>>, vector<512xf32>
      tpu.vector_store %arg7[%swap3A_949], %reduce_sum3A_558 {strides = array<i32>} : memref<8192xf32, #tpu.memory_space<vmem>>, vector<512xf32>,
    } else {
    }
    %gt3A = arith.constant 0 : i32
    %gt3A_563 = arith.cmpi sgt, %arg0, %gt3A : i32
    %convert_element_type3A_564 = arith.extui %gt3A_563 : i1 to i32
    %cond3A_565 = arith.constant 0 : i32
    %cond3A_566 = arith.cmpi ne, %convert_element_type3A_564, %cond3A_565 : i32
    scf.if %cond3A_566 {
      %get3A_949 = arith.constant 0 : index
      %get3A_950 = vector.load %arg7[%get3A_949] : memref<8192xf32, #tpu.memory_space<vmem>>, vector<512xf32>
      %add3A_951 = arith.addf %get3A_950, %reduce_sum3A_558 : vector<512xf32>
      %swap3A_952 = arith.constant 0 : index
      %swap3A_953 = vector.load %arg7[%swap3A_952] : memref<8192xf32, #tpu.memory_space<vmem>>, vector<512xf32>
      tpu.vector_store %arg7[%swap3A_952], %add3A_951 {strides = array<i32>} : memref<8192xf32, #tpu.memory_space<vmem>>, vector<512xf32>,
    } else {
    }
    %iota3A_567 = tpu.iota {dimensions = array<i32: 1>} : vector<256x512xi32>
    %add3A_568 = arith.constant 512 : i32
    %add3A_569 = vector.broadcast %add3A_568 : i32 to vector<256x512xi32>
    %add3A_570 = arith.addi %iota3A_567, %add3A_569 : vector<256x512xi32>
    %broadcast_in_dim3A_571 = vector.shape_cast %select_n3A_539 : vector<256xi32> to vector<256x1xi32>
    %eq3A_572 = vector.broadcast %broadcast_in_dim3A_571 : vector<256x1xi32> to vector<256x512xi32>
    %eq3A_573 = arith.cmpi eq, %add3A_570, %eq3A_572 : vector<256x512xi32>
    %convert_element_type3A_574 = arith.extui %eq3A_573 : vector<256x512xi1> to vector<256x512xi32>
    %convert_element_type3A_575 = arith.sitofp %convert_element_type3A_574 : vector<256x512xi32> to vector<256x512xf32>
    %swap3A_576 = arith.constant 0 : index
    %swap3A_577 = arith.constant 512 : index
    %swap3A_578 = vector.load %arg4[%swap3A_576, %swap3A_577] : memref<256x8192xf32, #tpu.memory_space<vmem>>, vector<256x512xf32>
    tpu.vector_store %arg4[%swap3A_576, %swap3A_577], %convert_element_type3A_575 {strides = array<i32>} : memref<256x8192xf32, #tpu.memory_space<vmem>>, vector<256x512xf32>,
    %reduce_sum3A_579 = arith.constant dense<0.000000e+00> : vector<512xf32>
    %reduce_sum3A_580 = vector.multi_reduction <add>, %convert_element_type3A_575, %reduce_sum3A_579 [0] : vector<256x512xf32> to vector<512xf32>
    %eq3A_581 = arith.constant 0 : i32
    %eq3A_582 = arith.cmpi eq, %arg0, %eq3A_581 : i32
    %convert_element_type3A_583 = arith.extui %eq3A_582 : i1 to i32
    %cond3A_584 = arith.constant 0 : i32
    %cond3A_585 = arith.cmpi ne, %convert_element_type3A_583, %cond3A_584 : i32
    scf.if %cond3A_585 {
      %swap3A_949 = arith.constant 512 : index
      %swap3A_950 = vector.load %arg7[%swap3A_949] : memref<8192xf32, #tpu.memory_space<vmem>>, vector<512xf32>
      tpu.vector_store %arg7[%swap3A_949], %reduce_sum3A_580 {strides = array<i32>} : memref<8192xf32, #tpu.memory_space<vmem>>, vector<512xf32>,
    } else {
    }
    %gt3A_586 = arith.constant 0 : i32
    %gt3A_587 = arith.cmpi sgt, %arg0, %gt3A_586 : i32
    %convert_element_type3A_588 = arith.extui %gt3A_587 : i1 to i32
    %cond3A_589 = arith.constant 0 : i32
    %cond3A_590 = arith.cmpi ne, %convert_element_type3A_588, %cond3A_589 : i32
    scf.if %cond3A_590 {
      %get3A_949 = arith.constant 512 : index
      %get3A_950 = vector.load %arg7[%get3A_949] : memref<8192xf32, #tpu.memory_space<vmem>>, vector<512xf32>
      %add3A_951 = arith.addf %get3A_950, %reduce_sum3A_580 : vector<512xf32>
      %swap3A_952 = arith.constant 512 : index
      %swap3A_953 = vector.load %arg7[%swap3A_952] : memref<8192xf32, #tpu.memory_space<vmem>>, vector<512xf32>
      tpu.vector_store %arg7[%swap3A_952], %add3A_951 {strides = array<i32>} : memref<8192xf32, #tpu.memory_space<vmem>>, vector<512xf32>,
    } else {
    }
    %iota3A_591 = tpu.iota {dimensions = array<i32: 1>} : vector<256x512xi32>
    %add3A_592 = arith.constant 1024 : i32
    %add3A_593 = vector.broadcast %add3A_592 : i32 to vector<256x512xi32>
    %add3A_594 = arith.addi %iota3A_591, %add3A_593 : vector<256x512xi32>
    %broadcast_in_dim3A_595 = vector.shape_cast %select_n3A_539 : vector<256xi32> to vector<256x1xi32>
    %eq3A_596 = vector.broadcast %broadcast_in_dim3A_595 : vector<256x1xi32> to vector<256x512xi32>
    %eq3A_597 = arith.cmpi eq, %add3A_594, %eq3A_596 : vector<256x512xi32>
    %convert_element_type3A_598 = arith.extui %eq3A_597 : vector<256x512xi1> to vector<256x512xi32>
    %convert_element_type3A_599 = arith.sitofp %convert_element_type3A_598 : vector<256x512xi32> to vector<256x512xf32>
    %swap3A_600 = arith.constant 0 : index
    %swap3A_601 = arith.constant 1024 : index
    %swap3A_602 = vector.load %arg4[%swap3A_600, %swap3A_601] : memref<256x8192xf32, #tpu.memory_space<vmem>>, vector<256x512xf32>
    tpu.vector_store %arg4[%swap3A_600, %swap3A_601], %convert_element_type3A_599 {strides = array<i32>} : memref<256x8192xf32, #tpu.memory_space<vmem>>, vector<256x512xf32>,
    %reduce_sum3A_603 = arith.constant dense<0.000000e+00> : vector<512xf32>
    %reduce_sum3A_604 = vector.multi_reduction <add>, %convert_element_type3A_599, %reduce_sum3A_603 [0] : vector<256x512xf32> to vector<512xf32>
    %eq3A_605 = arith.constant 0 : i32
    %eq3A_606 = arith.cmpi eq, %arg0, %eq3A_605 : i32
    %convert_element_type3A_607 = arith.extui %eq3A_606 : i1 to i32
    %cond3A_608 = arith.constant 0 : i32
    %cond3A_609 = arith.cmpi ne, %convert_element_type3A_607, %cond3A_608 : i32
    scf.if %cond3A_609 {
      %swap3A_949 = arith.constant 1024 : index
      %swap3A_950 = vector.load %arg7[%swap3A_949] : memref<8192xf32, #tpu.memory_space<vmem>>, vector<512xf32>
      tpu.vector_store %arg7[%swap3A_949], %reduce_sum3A_604 {strides = array<i32>} : memref<8192xf32, #tpu.memory_space<vmem>>, vector<512xf32>,
    } else {
    }
    %gt3A_610 = arith.constant 0 : i32
    %gt3A_611 = arith.cmpi sgt, %arg0, %gt3A_610 : i32
    %convert_element_type3A_612 = arith.extui %gt3A_611 : i1 to i32
    %cond3A_613 = arith.constant 0 : i32
    %cond3A_614 = arith.cmpi ne, %convert_element_type3A_612, %cond3A_613 : i32
    scf.if %cond3A_614 {
      %get3A_949 = arith.constant 1024 : index
      %get3A_950 = vector.load %arg7[%get3A_949] : memref<8192xf32, #tpu.memory_space<vmem>>, vector<512xf32>
      %add3A_951 = arith.addf %get3A_950, %reduce_sum3A_604 : vector<512xf32>
      %swap3A_952 = arith.constant 1024 : index
      %swap3A_953 = vector.load %arg7[%swap3A_952] : memref<8192xf32, #tpu.memory_space<vmem>>, vector<512xf32>
      tpu.vector_store %arg7[%swap3A_952], %add3A_951 {strides = array<i32>} : memref<8192xf32, #tpu.memory_space<vmem>>, vector<512xf32>,
    } else {
    }
    %iota3A_615 = tpu.iota {dimensions = array<i32: 1>} : vector<256x512xi32>
    %add3A_616 = arith.constant 1536 : i32
    %add3A_617 = vector.broadcast %add3A_616 : i32 to vector<256x512xi32>
    %add3A_618 = arith.addi %iota3A_615, %add3A_617 : vector<256x512xi32>
    %broadcast_in_dim3A_619 = vector.shape_cast %select_n3A_539 : vector<256xi32> to vector<256x1xi32>
    %eq3A_620 = vector.broadcast %broadcast_in_dim3A_619 : vector<256x1xi32> to vector<256x512xi32>
    %eq3A_621 = arith.cmpi eq, %add3A_618, %eq3A_620 : vector<256x512xi32>
    %convert_element_type3A_622 = arith.extui %eq3A_621 : vector<256x512xi1> to vector<256x512xi32>
    %convert_element_type3A_623 = arith.sitofp %convert_element_type3A_622 : vector<256x512xi32> to vector<256x512xf32>
    %swap3A_624 = arith.constant 0 : index
    %swap3A_625 = arith.constant 1536 : index
    %swap3A_626 = vector.load %arg4[%swap3A_624, %swap3A_625] : memref<256x8192xf32, #tpu.memory_space<vmem>>, vector<256x512xf32>
    tpu.vector_store %arg4[%swap3A_624, %swap3A_625], %convert_element_type3A_623 {strides = array<i32>} : memref<256x8192xf32, #tpu.memory_space<vmem>>, vector<256x512xf32>,
    %reduce_sum3A_627 = arith.constant dense<0.000000e+00> : vector<512xf32>
    %reduce_sum3A_628 = vector.multi_reduction <add>, %convert_element_type3A_623, %reduce_sum3A_627 [0] : vector<256x512xf32> to vector<512xf32>
    %eq3A_629 = arith.constant 0 : i32
    %eq3A_630 = arith.cmpi eq, %arg0, %eq3A_629 : i32
    %convert_element_type3A_631 = arith.extui %eq3A_630 : i1 to i32
    %cond3A_632 = arith.constant 0 : i32
    %cond3A_633 = arith.cmpi ne, %convert_element_type3A_631, %cond3A_632 : i32
    scf.if %cond3A_633 {
      %swap3A_949 = arith.constant 1536 : index
      %swap3A_950 = vector.load %arg7[%swap3A_949] : memref<8192xf32, #tpu.memory_space<vmem>>, vector<512xf32>
      tpu.vector_store %arg7[%swap3A_949], %reduce_sum3A_628 {strides = array<i32>} : memref<8192xf32, #tpu.memory_space<vmem>>, vector<512xf32>,
    } else {
    }
    %gt3A_634 = arith.constant 0 : i32
    %gt3A_635 = arith.cmpi sgt, %arg0, %gt3A_634 : i32
    %convert_element_type3A_636 = arith.extui %gt3A_635 : i1 to i32
    %cond3A_637 = arith.constant 0 : i32
    %cond3A_638 = arith.cmpi ne, %convert_element_type3A_636, %cond3A_637 : i32
    scf.if %cond3A_638 {
      %get3A_949 = arith.constant 1536 : index
      %get3A_950 = vector.load %arg7[%get3A_949] : memref<8192xf32, #tpu.memory_space<vmem>>, vector<512xf32>
      %add3A_951 = arith.addf %get3A_950, %reduce_sum3A_628 : vector<512xf32>
      %swap3A_952 = arith.constant 1536 : index
      %swap3A_953 = vector.load %arg7[%swap3A_952] : memref<8192xf32, #tpu.memory_space<vmem>>, vector<512xf32>
      tpu.vector_store %arg7[%swap3A_952], %add3A_951 {strides = array<i32>} : memref<8192xf32, #tpu.memory_space<vmem>>, vector<512xf32>,
    } else {
    }
    %iota3A_639 = tpu.iota {dimensions = array<i32: 1>} : vector<256x512xi32>
    %add3A_640 = arith.constant 2048 : i32
    %add3A_641 = vector.broadcast %add3A_640 : i32 to vector<256x512xi32>
    %add3A_642 = arith.addi %iota3A_639, %add3A_641 : vector<256x512xi32>
    %broadcast_in_dim3A_643 = vector.shape_cast %select_n3A_539 : vector<256xi32> to vector<256x1xi32>
    %eq3A_644 = vector.broadcast %broadcast_in_dim3A_643 : vector<256x1xi32> to vector<256x512xi32>
    %eq3A_645 = arith.cmpi eq, %add3A_642, %eq3A_644 : vector<256x512xi32>
    %convert_element_type3A_646 = arith.extui %eq3A_645 : vector<256x512xi1> to vector<256x512xi32>
    %convert_element_type3A_647 = arith.sitofp %convert_element_type3A_646 : vector<256x512xi32> to vector<256x512xf32>
    %swap3A_648 = arith.constant 0 : index
    %swap3A_649 = arith.constant 2048 : index
    %swap3A_650 = vector.load %arg4[%swap3A_648, %swap3A_649] : memref<256x8192xf32, #tpu.memory_space<vmem>>, vector<256x512xf32>
    tpu.vector_store %arg4[%swap3A_648, %swap3A_649], %convert_element_type3A_647 {strides = array<i32>} : memref<256x8192xf32, #tpu.memory_space<vmem>>, vector<256x512xf32>,
    %reduce_sum3A_651 = arith.constant dense<0.000000e+00> : vector<512xf32>
    %reduce_sum3A_652 = vector.multi_reduction <add>, %convert_element_type3A_647, %reduce_sum3A_651 [0] : vector<256x512xf32> to vector<512xf32>
    %eq3A_653 = arith.constant 0 : i32
    %eq3A_654 = arith.cmpi eq, %arg0, %eq3A_653 : i32
    %convert_element_type3A_655 = arith.extui %eq3A_654 : i1 to i32
    %cond3A_656 = arith.constant 0 : i32
    %cond3A_657 = arith.cmpi ne, %convert_element_type3A_655, %cond3A_656 : i32
    scf.if %cond3A_657 {
      %swap3A_949 = arith.constant 2048 : index
      %swap3A_950 = vector.load %arg7[%swap3A_949] : memref<8192xf32, #tpu.memory_space<vmem>>, vector<512xf32>
      tpu.vector_store %arg7[%swap3A_949], %reduce_sum3A_652 {strides = array<i32>} : memref<8192xf32, #tpu.memory_space<vmem>>, vector<512xf32>,
    } else {
    }
    %gt3A_658 = arith.constant 0 : i32
    %gt3A_659 = arith.cmpi sgt, %arg0, %gt3A_658 : i32
    %convert_element_type3A_660 = arith.extui %gt3A_659 : i1 to i32
    %cond3A_661 = arith.constant 0 : i32
    %cond3A_662 = arith.cmpi ne, %convert_element_type3A_660, %cond3A_661 : i32
    scf.if %cond3A_662 {
      %get3A_949 = arith.constant 2048 : index
      %get3A_950 = vector.load %arg7[%get3A_949] : memref<8192xf32, #tpu.memory_space<vmem>>, vector<512xf32>
      %add3A_951 = arith.addf %get3A_950, %reduce_sum3A_652 : vector<512xf32>
      %swap3A_952 = arith.constant 2048 : index
      %swap3A_953 = vector.load %arg7[%swap3A_952] : memref<8192xf32, #tpu.memory_space<vmem>>, vector<512xf32>
      tpu.vector_store %arg7[%swap3A_952], %add3A_951 {strides = array<i32>} : memref<8192xf32, #tpu.memory_space<vmem>>, vector<512xf32>,
    } else {
    }
    %iota3A_663 = tpu.iota {dimensions = array<i32: 1>} : vector<256x512xi32>
    %add3A_664 = arith.constant 2560 : i32
    %add3A_665 = vector.broadcast %add3A_664 : i32 to vector<256x512xi32>
    %add3A_666 = arith.addi %iota3A_663, %add3A_665 : vector<256x512xi32>
    %broadcast_in_dim3A_667 = vector.shape_cast %select_n3A_539 : vector<256xi32> to vector<256x1xi32>
    %eq3A_668 = vector.broadcast %broadcast_in_dim3A_667 : vector<256x1xi32> to vector<256x512xi32>
    %eq3A_669 = arith.cmpi eq, %add3A_666, %eq3A_668 : vector<256x512xi32>
    %convert_element_type3A_670 = arith.extui %eq3A_669 : vector<256x512xi1> to vector<256x512xi32>
    %convert_element_type3A_671 = arith.sitofp %convert_element_type3A_670 : vector<256x512xi32> to vector<256x512xf32>
    %swap3A_672 = arith.constant 0 : index
    %swap3A_673 = arith.constant 2560 : index
    %swap3A_674 = vector.load %arg4[%swap3A_672, %swap3A_673] : memref<256x8192xf32, #tpu.memory_space<vmem>>, vector<256x512xf32>
    tpu.vector_store %arg4[%swap3A_672, %swap3A_673], %convert_element_type3A_671 {strides = array<i32>} : memref<256x8192xf32, #tpu.memory_space<vmem>>, vector<256x512xf32>,
    %reduce_sum3A_675 = arith.constant dense<0.000000e+00> : vector<512xf32>
    %reduce_sum3A_676 = vector.multi_reduction <add>, %convert_element_type3A_671, %reduce_sum3A_675 [0] : vector<256x512xf32> to vector<512xf32>
    %eq3A_677 = arith.constant 0 : i32
    %eq3A_678 = arith.cmpi eq, %arg0, %eq3A_677 : i32
    %convert_element_type3A_679 = arith.extui %eq3A_678 : i1 to i32
    %cond3A_680 = arith.constant 0 : i32
    %cond3A_681 = arith.cmpi ne, %convert_element_type3A_679, %cond3A_680 : i32
    scf.if %cond3A_681 {
      %swap3A_949 = arith.constant 2560 : index
      %swap3A_950 = vector.load %arg7[%swap3A_949] : memref<8192xf32, #tpu.memory_space<vmem>>, vector<512xf32>
      tpu.vector_store %arg7[%swap3A_949], %reduce_sum3A_676 {strides = array<i32>} : memref<8192xf32, #tpu.memory_space<vmem>>, vector<512xf32>,
    } else {
    }
    %gt3A_682 = arith.constant 0 : i32
    %gt3A_683 = arith.cmpi sgt, %arg0, %gt3A_682 : i32
    %convert_element_type3A_684 = arith.extui %gt3A_683 : i1 to i32
    %cond3A_685 = arith.constant 0 : i32
    %cond3A_686 = arith.cmpi ne, %convert_element_type3A_684, %cond3A_685 : i32
    scf.if %cond3A_686 {
      %get3A_949 = arith.constant 2560 : index
      %get3A_950 = vector.load %arg7[%get3A_949] : memref<8192xf32, #tpu.memory_space<vmem>>, vector<512xf32>
      %add3A_951 = arith.addf %get3A_950, %reduce_sum3A_676 : vector<512xf32>
      %swap3A_952 = arith.constant 2560 : index
      %swap3A_953 = vector.load %arg7[%swap3A_952] : memref<8192xf32, #tpu.memory_space<vmem>>, vector<512xf32>
      tpu.vector_store %arg7[%swap3A_952], %add3A_951 {strides = array<i32>} : memref<8192xf32, #tpu.memory_space<vmem>>, vector<512xf32>,
    } else {
    }
    %iota3A_687 = tpu.iota {dimensions = array<i32: 1>} : vector<256x512xi32>
    %add3A_688 = arith.constant 3072 : i32
    %add3A_689 = vector.broadcast %add3A_688 : i32 to vector<256x512xi32>
    %add3A_690 = arith.addi %iota3A_687, %add3A_689 : vector<256x512xi32>
    %broadcast_in_dim3A_691 = vector.shape_cast %select_n3A_539 : vector<256xi32> to vector<256x1xi32>
    %eq3A_692 = vector.broadcast %broadcast_in_dim3A_691 : vector<256x1xi32> to vector<256x512xi32>
    %eq3A_693 = arith.cmpi eq, %add3A_690, %eq3A_692 : vector<256x512xi32>
    %convert_element_type3A_694 = arith.extui %eq3A_693 : vector<256x512xi1> to vector<256x512xi32>
    %convert_element_type3A_695 = arith.sitofp %convert_element_type3A_694 : vector<256x512xi32> to vector<256x512xf32>
    %swap3A_696 = arith.constant 0 : index
    %swap3A_697 = arith.constant 3072 : index
    %swap3A_698 = vector.load %arg4[%swap3A_696, %swap3A_697] : memref<256x8192xf32, #tpu.memory_space<vmem>>, vector<256x512xf32>
    tpu.vector_store %arg4[%swap3A_696, %swap3A_697], %convert_element_type3A_695 {strides = array<i32>} : memref<256x8192xf32, #tpu.memory_space<vmem>>, vector<256x512xf32>,
    %reduce_sum3A_699 = arith.constant dense<0.000000e+00> : vector<512xf32>
    %reduce_sum3A_700 = vector.multi_reduction <add>, %convert_element_type3A_695, %reduce_sum3A_699 [0] : vector<256x512xf32> to vector<512xf32>
    %eq3A_701 = arith.constant 0 : i32
    %eq3A_702 = arith.cmpi eq, %arg0, %eq3A_701 : i32
    %convert_element_type3A_703 = arith.extui %eq3A_702 : i1 to i32
    %cond3A_704 = arith.constant 0 : i32
    %cond3A_705 = arith.cmpi ne, %convert_element_type3A_703, %cond3A_704 : i32
    scf.if %cond3A_705 {
      %swap3A_949 = arith.constant 3072 : index
      %swap3A_950 = vector.load %arg7[%swap3A_949] : memref<8192xf32, #tpu.memory_space<vmem>>, vector<512xf32>
      tpu.vector_store %arg7[%swap3A_949], %reduce_sum3A_700 {strides = array<i32>} : memref<8192xf32, #tpu.memory_space<vmem>>, vector<512xf32>,
    } else {
    }
    %gt3A_706 = arith.constant 0 : i32
    %gt3A_707 = arith.cmpi sgt, %arg0, %gt3A_706 : i32
    %convert_element_type3A_708 = arith.extui %gt3A_707 : i1 to i32
    %cond3A_709 = arith.constant 0 : i32
    %cond3A_710 = arith.cmpi ne, %convert_element_type3A_708, %cond3A_709 : i32
    scf.if %cond3A_710 {
      %get3A_949 = arith.constant 3072 : index
      %get3A_950 = vector.load %arg7[%get3A_949] : memref<8192xf32, #tpu.memory_space<vmem>>, vector<512xf32>
      %add3A_951 = arith.addf %get3A_950, %reduce_sum3A_700 : vector<512xf32>
      %swap3A_952 = arith.constant 3072 : index
      %swap3A_953 = vector.load %arg7[%swap3A_952] : memref<8192xf32, #tpu.memory_space<vmem>>, vector<512xf32>
      tpu.vector_store %arg7[%swap3A_952], %add3A_951 {strides = array<i32>} : memref<8192xf32, #tpu.memory_space<vmem>>, vector<512xf32>,
    } else {
    }
    %iota3A_711 = tpu.iota {dimensions = array<i32: 1>} : vector<256x512xi32>
    %add3A_712 = arith.constant 3584 : i32
    %add3A_713 = vector.broadcast %add3A_712 : i32 to vector<256x512xi32>
    %add3A_714 = arith.addi %iota3A_711, %add3A_713 : vector<256x512xi32>
    %broadcast_in_dim3A_715 = vector.shape_cast %select_n3A_539 : vector<256xi32> to vector<256x1xi32>
    %eq3A_716 = vector.broadcast %broadcast_in_dim3A_715 : vector<256x1xi32> to vector<256x512xi32>
    %eq3A_717 = arith.cmpi eq, %add3A_714, %eq3A_716 : vector<256x512xi32>
    %convert_element_type3A_718 = arith.extui %eq3A_717 : vector<256x512xi1> to vector<256x512xi32>
    %convert_element_type3A_719 = arith.sitofp %convert_element_type3A_718 : vector<256x512xi32> to vector<256x512xf32>
    %swap3A_720 = arith.constant 0 : index
    %swap3A_721 = arith.constant 3584 : index
    %swap3A_722 = vector.load %arg4[%swap3A_720, %swap3A_721] : memref<256x8192xf32, #tpu.memory_space<vmem>>, vector<256x512xf32>
    tpu.vector_store %arg4[%swap3A_720, %swap3A_721], %convert_element_type3A_719 {strides = array<i32>} : memref<256x8192xf32, #tpu.memory_space<vmem>>, vector<256x512xf32>,
    %reduce_sum3A_723 = arith.constant dense<0.000000e+00> : vector<512xf32>
    %reduce_sum3A_724 = vector.multi_reduction <add>, %convert_element_type3A_719, %reduce_sum3A_723 [0] : vector<256x512xf32> to vector<512xf32>
    %eq3A_725 = arith.constant 0 : i32
    %eq3A_726 = arith.cmpi eq, %arg0, %eq3A_725 : i32
    %convert_element_type3A_727 = arith.extui %eq3A_726 : i1 to i32
    %cond3A_728 = arith.constant 0 : i32
    %cond3A_729 = arith.cmpi ne, %convert_element_type3A_727, %cond3A_728 : i32
    scf.if %cond3A_729 {
      %swap3A_949 = arith.constant 3584 : index
      %swap3A_950 = vector.load %arg7[%swap3A_949] : memref<8192xf32, #tpu.memory_space<vmem>>, vector<512xf32>
      tpu.vector_store %arg7[%swap3A_949], %reduce_sum3A_724 {strides = array<i32>} : memref<8192xf32, #tpu.memory_space<vmem>>, vector<512xf32>,
    } else {
    }
    %gt3A_730 = arith.constant 0 : i32
    %gt3A_731 = arith.cmpi sgt, %arg0, %gt3A_730 : i32
    %convert_element_type3A_732 = arith.extui %gt3A_731 : i1 to i32
    %cond3A_733 = arith.constant 0 : i32
    %cond3A_734 = arith.cmpi ne, %convert_element_type3A_732, %cond3A_733 : i32
    scf.if %cond3A_734 {
      %get3A_949 = arith.constant 3584 : index
      %get3A_950 = vector.load %arg7[%get3A_949] : memref<8192xf32, #tpu.memory_space<vmem>>, vector<512xf32>
      %add3A_951 = arith.addf %get3A_950, %reduce_sum3A_724 : vector<512xf32>
      %swap3A_952 = arith.constant 3584 : index
      %swap3A_953 = vector.load %arg7[%swap3A_952] : memref<8192xf32, #tpu.memory_space<vmem>>, vector<512xf32>
      tpu.vector_store %arg7[%swap3A_952], %add3A_951 {strides = array<i32>} : memref<8192xf32, #tpu.memory_space<vmem>>, vector<512xf32>,
    } else {
    }
    %iota3A_735 = tpu.iota {dimensions = array<i32: 1>} : vector<256x512xi32>
    %add3A_736 = arith.constant 4096 : i32
    %add3A_737 = vector.broadcast %add3A_736 : i32 to vector<256x512xi32>
    %add3A_738 = arith.addi %iota3A_735, %add3A_737 : vector<256x512xi32>
    %broadcast_in_dim3A_739 = vector.shape_cast %select_n3A_539 : vector<256xi32> to vector<256x1xi32>
    %eq3A_740 = vector.broadcast %broadcast_in_dim3A_739 : vector<256x1xi32> to vector<256x512xi32>
    %eq3A_741 = arith.cmpi eq, %add3A_738, %eq3A_740 : vector<256x512xi32>
    %convert_element_type3A_742 = arith.extui %eq3A_741 : vector<256x512xi1> to vector<256x512xi32>
    %convert_element_type3A_743 = arith.sitofp %convert_element_type3A_742 : vector<256x512xi32> to vector<256x512xf32>
    %swap3A_744 = arith.constant 0 : index
    %swap3A_745 = arith.constant 4096 : index
    %swap3A_746 = vector.load %arg4[%swap3A_744, %swap3A_745] : memref<256x8192xf32, #tpu.memory_space<vmem>>, vector<256x512xf32>
    tpu.vector_store %arg4[%swap3A_744, %swap3A_745], %convert_element_type3A_743 {strides = array<i32>} : memref<256x8192xf32, #tpu.memory_space<vmem>>, vector<256x512xf32>,
    %reduce_sum3A_747 = arith.constant dense<0.000000e+00> : vector<512xf32>
    %reduce_sum3A_748 = vector.multi_reduction <add>, %convert_element_type3A_743, %reduce_sum3A_747 [0] : vector<256x512xf32> to vector<512xf32>
    %eq3A_749 = arith.constant 0 : i32
    %eq3A_750 = arith.cmpi eq, %arg0, %eq3A_749 : i32
    %convert_element_type3A_751 = arith.extui %eq3A_750 : i1 to i32
    %cond3A_752 = arith.constant 0 : i32
    %cond3A_753 = arith.cmpi ne, %convert_element_type3A_751, %cond3A_752 : i32
    scf.if %cond3A_753 {
      %swap3A_949 = arith.constant 4096 : index
      %swap3A_950 = vector.load %arg7[%swap3A_949] : memref<8192xf32, #tpu.memory_space<vmem>>, vector<512xf32>
      tpu.vector_store %arg7[%swap3A_949], %reduce_sum3A_748 {strides = array<i32>} : memref<8192xf32, #tpu.memory_space<vmem>>, vector<512xf32>,
    } else {
    }
    %gt3A_754 = arith.constant 0 : i32
    %gt3A_755 = arith.cmpi sgt, %arg0, %gt3A_754 : i32
    %convert_element_type3A_756 = arith.extui %gt3A_755 : i1 to i32
    %cond3A_757 = arith.constant 0 : i32
    %cond3A_758 = arith.cmpi ne, %convert_element_type3A_756, %cond3A_757 : i32
    scf.if %cond3A_758 {
      %get3A_949 = arith.constant 4096 : index
      %get3A_950 = vector.load %arg7[%get3A_949] : memref<8192xf32, #tpu.memory_space<vmem>>, vector<512xf32>
      %add3A_951 = arith.addf %get3A_950, %reduce_sum3A_748 : vector<512xf32>
      %swap3A_952 = arith.constant 4096 : index
      %swap3A_953 = vector.load %arg7[%swap3A_952] : memref<8192xf32, #tpu.memory_space<vmem>>, vector<512xf32>
      tpu.vector_store %arg7[%swap3A_952], %add3A_951 {strides = array<i32>} : memref<8192xf32, #tpu.memory_space<vmem>>, vector<512xf32>,
    } else {
    }
    %iota3A_759 = tpu.iota {dimensions = array<i32: 1>} : vector<256x512xi32>
    %add3A_760 = arith.constant 4608 : i32
    %add3A_761 = vector.broadcast %add3A_760 : i32 to vector<256x512xi32>
    %add3A_762 = arith.addi %iota3A_759, %add3A_761 : vector<256x512xi32>
    %broadcast_in_dim3A_763 = vector.shape_cast %select_n3A_539 : vector<256xi32> to vector<256x1xi32>
    %eq3A_764 = vector.broadcast %broadcast_in_dim3A_763 : vector<256x1xi32> to vector<256x512xi32>
    %eq3A_765 = arith.cmpi eq, %add3A_762, %eq3A_764 : vector<256x512xi32>
    %convert_element_type3A_766 = arith.extui %eq3A_765 : vector<256x512xi1> to vector<256x512xi32>
    %convert_element_type3A_767 = arith.sitofp %convert_element_type3A_766 : vector<256x512xi32> to vector<256x512xf32>
    %swap3A_768 = arith.constant 0 : index
    %swap3A_769 = arith.constant 4608 : index
    %swap3A_770 = vector.load %arg4[%swap3A_768, %swap3A_769] : memref<256x8192xf32, #tpu.memory_space<vmem>>, vector<256x512xf32>
    tpu.vector_store %arg4[%swap3A_768, %swap3A_769], %convert_element_type3A_767 {strides = array<i32>} : memref<256x8192xf32, #tpu.memory_space<vmem>>, vector<256x512xf32>,
    %reduce_sum3A_771 = arith.constant dense<0.000000e+00> : vector<512xf32>
    %reduce_sum3A_772 = vector.multi_reduction <add>, %convert_element_type3A_767, %reduce_sum3A_771 [0] : vector<256x512xf32> to vector<512xf32>
    %eq3A_773 = arith.constant 0 : i32
    %eq3A_774 = arith.cmpi eq, %arg0, %eq3A_773 : i32
    %convert_element_type3A_775 = arith.extui %eq3A_774 : i1 to i32
    %cond3A_776 = arith.constant 0 : i32
    %cond3A_777 = arith.cmpi ne, %convert_element_type3A_775, %cond3A_776 : i32
    scf.if %cond3A_777 {
      %swap3A_949 = arith.constant 4608 : index
      %swap3A_950 = vector.load %arg7[%swap3A_949] : memref<8192xf32, #tpu.memory_space<vmem>>, vector<512xf32>
      tpu.vector_store %arg7[%swap3A_949], %reduce_sum3A_772 {strides = array<i32>} : memref<8192xf32, #tpu.memory_space<vmem>>, vector<512xf32>,
    } else {
    }
    %gt3A_778 = arith.constant 0 : i32
    %gt3A_779 = arith.cmpi sgt, %arg0, %gt3A_778 : i32
    %convert_element_type3A_780 = arith.extui %gt3A_779 : i1 to i32
    %cond3A_781 = arith.constant 0 : i32
    %cond3A_782 = arith.cmpi ne, %convert_element_type3A_780, %cond3A_781 : i32
    scf.if %cond3A_782 {
      %get3A_949 = arith.constant 4608 : index
      %get3A_950 = vector.load %arg7[%get3A_949] : memref<8192xf32, #tpu.memory_space<vmem>>, vector<512xf32>
      %add3A_951 = arith.addf %get3A_950, %reduce_sum3A_772 : vector<512xf32>
      %swap3A_952 = arith.constant 4608 : index
      %swap3A_953 = vector.load %arg7[%swap3A_952] : memref<8192xf32, #tpu.memory_space<vmem>>, vector<512xf32>
      tpu.vector_store %arg7[%swap3A_952], %add3A_951 {strides = array<i32>} : memref<8192xf32, #tpu.memory_space<vmem>>, vector<512xf32>,
    } else {
    }
    %iota3A_783 = tpu.iota {dimensions = array<i32: 1>} : vector<256x512xi32>
    %add3A_784 = arith.constant 5120 : i32
    %add3A_785 = vector.broadcast %add3A_784 : i32 to vector<256x512xi32>
    %add3A_786 = arith.addi %iota3A_783, %add3A_785 : vector<256x512xi32>
    %broadcast_in_dim3A_787 = vector.shape_cast %select_n3A_539 : vector<256xi32> to vector<256x1xi32>
    %eq3A_788 = vector.broadcast %broadcast_in_dim3A_787 : vector<256x1xi32> to vector<256x512xi32>
    %eq3A_789 = arith.cmpi eq, %add3A_786, %eq3A_788 : vector<256x512xi32>
    %convert_element_type3A_790 = arith.extui %eq3A_789 : vector<256x512xi1> to vector<256x512xi32>
    %convert_element_type3A_791 = arith.sitofp %convert_element_type3A_790 : vector<256x512xi32> to vector<256x512xf32>
    %swap3A_792 = arith.constant 0 : index
    %swap3A_793 = arith.constant 5120 : index
    %swap3A_794 = vector.load %arg4[%swap3A_792, %swap3A_793] : memref<256x8192xf32, #tpu.memory_space<vmem>>, vector<256x512xf32>
    tpu.vector_store %arg4[%swap3A_792, %swap3A_793], %convert_element_type3A_791 {strides = array<i32>} : memref<256x8192xf32, #tpu.memory_space<vmem>>, vector<256x512xf32>,
    %reduce_sum3A_795 = arith.constant dense<0.000000e+00> : vector<512xf32>
    %reduce_sum3A_796 = vector.multi_reduction <add>, %convert_element_type3A_791, %reduce_sum3A_795 [0] : vector<256x512xf32> to vector<512xf32>
    %eq3A_797 = arith.constant 0 : i32
    %eq3A_798 = arith.cmpi eq, %arg0, %eq3A_797 : i32
    %convert_element_type3A_799 = arith.extui %eq3A_798 : i1 to i32
    %cond3A_800 = arith.constant 0 : i32
    %cond3A_801 = arith.cmpi ne, %convert_element_type3A_799, %cond3A_800 : i32
    scf.if %cond3A_801 {
      %swap3A_949 = arith.constant 5120 : index
      %swap3A_950 = vector.load %arg7[%swap3A_949] : memref<8192xf32, #tpu.memory_space<vmem>>, vector<512xf32>
      tpu.vector_store %arg7[%swap3A_949], %reduce_sum3A_796 {strides = array<i32>} : memref<8192xf32, #tpu.memory_space<vmem>>, vector<512xf32>,
    } else {
    }
    %gt3A_802 = arith.constant 0 : i32
    %gt3A_803 = arith.cmpi sgt, %arg0, %gt3A_802 : i32
    %convert_element_type3A_804 = arith.extui %gt3A_803 : i1 to i32
    %cond3A_805 = arith.constant 0 : i32
    %cond3A_806 = arith.cmpi ne, %convert_element_type3A_804, %cond3A_805 : i32
    scf.if %cond3A_806 {
      %get3A_949 = arith.constant 5120 : index
      %get3A_950 = vector.load %arg7[%get3A_949] : memref<8192xf32, #tpu.memory_space<vmem>>, vector<512xf32>
      %add3A_951 = arith.addf %get3A_950, %reduce_sum3A_796 : vector<512xf32>
      %swap3A_952 = arith.constant 5120 : index
      %swap3A_953 = vector.load %arg7[%swap3A_952] : memref<8192xf32, #tpu.memory_space<vmem>>, vector<512xf32>
      tpu.vector_store %arg7[%swap3A_952], %add3A_951 {strides = array<i32>} : memref<8192xf32, #tpu.memory_space<vmem>>, vector<512xf32>,
    } else {
    }
    %iota3A_807 = tpu.iota {dimensions = array<i32: 1>} : vector<256x512xi32>
    %add3A_808 = arith.constant 5632 : i32
    %add3A_809 = vector.broadcast %add3A_808 : i32 to vector<256x512xi32>
    %add3A_810 = arith.addi %iota3A_807, %add3A_809 : vector<256x512xi32>
    %broadcast_in_dim3A_811 = vector.shape_cast %select_n3A_539 : vector<256xi32> to vector<256x1xi32>
    %eq3A_812 = vector.broadcast %broadcast_in_dim3A_811 : vector<256x1xi32> to vector<256x512xi32>
    %eq3A_813 = arith.cmpi eq, %add3A_810, %eq3A_812 : vector<256x512xi32>
    %convert_element_type3A_814 = arith.extui %eq3A_813 : vector<256x512xi1> to vector<256x512xi32>
    %convert_element_type3A_815 = arith.sitofp %convert_element_type3A_814 : vector<256x512xi32> to vector<256x512xf32>
    %swap3A_816 = arith.constant 0 : index
    %swap3A_817 = arith.constant 5632 : index
    %swap3A_818 = vector.load %arg4[%swap3A_816, %swap3A_817] : memref<256x8192xf32, #tpu.memory_space<vmem>>, vector<256x512xf32>
    tpu.vector_store %arg4[%swap3A_816, %swap3A_817], %convert_element_type3A_815 {strides = array<i32>} : memref<256x8192xf32, #tpu.memory_space<vmem>>, vector<256x512xf32>,
    %reduce_sum3A_819 = arith.constant dense<0.000000e+00> : vector<512xf32>
    %reduce_sum3A_820 = vector.multi_reduction <add>, %convert_element_type3A_815, %reduce_sum3A_819 [0] : vector<256x512xf32> to vector<512xf32>
    %eq3A_821 = arith.constant 0 : i32
    %eq3A_822 = arith.cmpi eq, %arg0, %eq3A_821 : i32
    %convert_element_type3A_823 = arith.extui %eq3A_822 : i1 to i32
    %cond3A_824 = arith.constant 0 : i32
    %cond3A_825 = arith.cmpi ne, %convert_element_type3A_823, %cond3A_824 : i32
    scf.if %cond3A_825 {
      %swap3A_949 = arith.constant 5632 : index
      %swap3A_950 = vector.load %arg7[%swap3A_949] : memref<8192xf32, #tpu.memory_space<vmem>>, vector<512xf32>
      tpu.vector_store %arg7[%swap3A_949], %reduce_sum3A_820 {strides = array<i32>} : memref<8192xf32, #tpu.memory_space<vmem>>, vector<512xf32>,
    } else {
    }
    %gt3A_826 = arith.constant 0 : i32
    %gt3A_827 = arith.cmpi sgt, %arg0, %gt3A_826 : i32
    %convert_element_type3A_828 = arith.extui %gt3A_827 : i1 to i32
    %cond3A_829 = arith.constant 0 : i32
    %cond3A_830 = arith.cmpi ne, %convert_element_type3A_828, %cond3A_829 : i32
    scf.if %cond3A_830 {
      %get3A_949 = arith.constant 5632 : index
      %get3A_950 = vector.load %arg7[%get3A_949] : memref<8192xf32, #tpu.memory_space<vmem>>, vector<512xf32>
      %add3A_951 = arith.addf %get3A_950, %reduce_sum3A_820 : vector<512xf32>
      %swap3A_952 = arith.constant 5632 : index
      %swap3A_953 = vector.load %arg7[%swap3A_952] : memref<8192xf32, #tpu.memory_space<vmem>>, vector<512xf32>
      tpu.vector_store %arg7[%swap3A_952], %add3A_951 {strides = array<i32>} : memref<8192xf32, #tpu.memory_space<vmem>>, vector<512xf32>,
    } else {
    }
    %iota3A_831 = tpu.iota {dimensions = array<i32: 1>} : vector<256x512xi32>
    %add3A_832 = arith.constant 6144 : i32
    %add3A_833 = vector.broadcast %add3A_832 : i32 to vector<256x512xi32>
    %add3A_834 = arith.addi %iota3A_831, %add3A_833 : vector<256x512xi32>
    %broadcast_in_dim3A_835 = vector.shape_cast %select_n3A_539 : vector<256xi32> to vector<256x1xi32>
    %eq3A_836 = vector.broadcast %broadcast_in_dim3A_835 : vector<256x1xi32> to vector<256x512xi32>
    %eq3A_837 = arith.cmpi eq, %add3A_834, %eq3A_836 : vector<256x512xi32>
    %convert_element_type3A_838 = arith.extui %eq3A_837 : vector<256x512xi1> to vector<256x512xi32>
    %convert_element_type3A_839 = arith.sitofp %convert_element_type3A_838 : vector<256x512xi32> to vector<256x512xf32>
    %swap3A_840 = arith.constant 0 : index
    %swap3A_841 = arith.constant 6144 : index
    %swap3A_842 = vector.load %arg4[%swap3A_840, %swap3A_841] : memref<256x8192xf32, #tpu.memory_space<vmem>>, vector<256x512xf32>
    tpu.vector_store %arg4[%swap3A_840, %swap3A_841], %convert_element_type3A_839 {strides = array<i32>} : memref<256x8192xf32, #tpu.memory_space<vmem>>, vector<256x512xf32>,
    %reduce_sum3A_843 = arith.constant dense<0.000000e+00> : vector<512xf32>
    %reduce_sum3A_844 = vector.multi_reduction <add>, %convert_element_type3A_839, %reduce_sum3A_843 [0] : vector<256x512xf32> to vector<512xf32>
    %eq3A_845 = arith.constant 0 : i32
    %eq3A_846 = arith.cmpi eq, %arg0, %eq3A_845 : i32
    %convert_element_type3A_847 = arith.extui %eq3A_846 : i1 to i32
    %cond3A_848 = arith.constant 0 : i32
    %cond3A_849 = arith.cmpi ne, %convert_element_type3A_847, %cond3A_848 : i32
    scf.if %cond3A_849 {
      %swap3A_949 = arith.constant 6144 : index
      %swap3A_950 = vector.load %arg7[%swap3A_949] : memref<8192xf32, #tpu.memory_space<vmem>>, vector<512xf32>
      tpu.vector_store %arg7[%swap3A_949], %reduce_sum3A_844 {strides = array<i32>} : memref<8192xf32, #tpu.memory_space<vmem>>, vector<512xf32>,
    } else {
    }
    %gt3A_850 = arith.constant 0 : i32
    %gt3A_851 = arith.cmpi sgt, %arg0, %gt3A_850 : i32
    %convert_element_type3A_852 = arith.extui %gt3A_851 : i1 to i32
    %cond3A_853 = arith.constant 0 : i32
    %cond3A_854 = arith.cmpi ne, %convert_element_type3A_852, %cond3A_853 : i32
    scf.if %cond3A_854 {
      %get3A_949 = arith.constant 6144 : index
      %get3A_950 = vector.load %arg7[%get3A_949] : memref<8192xf32, #tpu.memory_space<vmem>>, vector<512xf32>
      %add3A_951 = arith.addf %get3A_950, %reduce_sum3A_844 : vector<512xf32>
      %swap3A_952 = arith.constant 6144 : index
      %swap3A_953 = vector.load %arg7[%swap3A_952] : memref<8192xf32, #tpu.memory_space<vmem>>, vector<512xf32>
      tpu.vector_store %arg7[%swap3A_952], %add3A_951 {strides = array<i32>} : memref<8192xf32, #tpu.memory_space<vmem>>, vector<512xf32>,
    } else {
    }
    %iota3A_855 = tpu.iota {dimensions = array<i32: 1>} : vector<256x512xi32>
    %add3A_856 = arith.constant 6656 : i32
    %add3A_857 = vector.broadcast %add3A_856 : i32 to vector<256x512xi32>
    %add3A_858 = arith.addi %iota3A_855, %add3A_857 : vector<256x512xi32>
    %broadcast_in_dim3A_859 = vector.shape_cast %select_n3A_539 : vector<256xi32> to vector<256x1xi32>
    %eq3A_860 = vector.broadcast %broadcast_in_dim3A_859 : vector<256x1xi32> to vector<256x512xi32>
    %eq3A_861 = arith.cmpi eq, %add3A_858, %eq3A_860 : vector<256x512xi32>
    %convert_element_type3A_862 = arith.extui %eq3A_861 : vector<256x512xi1> to vector<256x512xi32>
    %convert_element_type3A_863 = arith.sitofp %convert_element_type3A_862 : vector<256x512xi32> to vector<256x512xf32>
    %swap3A_864 = arith.constant 0 : index
    %swap3A_865 = arith.constant 6656 : index
    %swap3A_866 = vector.load %arg4[%swap3A_864, %swap3A_865] : memref<256x8192xf32, #tpu.memory_space<vmem>>, vector<256x512xf32>
    tpu.vector_store %arg4[%swap3A_864, %swap3A_865], %convert_element_type3A_863 {strides = array<i32>} : memref<256x8192xf32, #tpu.memory_space<vmem>>, vector<256x512xf32>,
    %reduce_sum3A_867 = arith.constant dense<0.000000e+00> : vector<512xf32>
    %reduce_sum3A_868 = vector.multi_reduction <add>, %convert_element_type3A_863, %reduce_sum3A_867 [0] : vector<256x512xf32> to vector<512xf32>
    %eq3A_869 = arith.constant 0 : i32
    %eq3A_870 = arith.cmpi eq, %arg0, %eq3A_869 : i32
    %convert_element_type3A_871 = arith.extui %eq3A_870 : i1 to i32
    %cond3A_872 = arith.constant 0 : i32
    %cond3A_873 = arith.cmpi ne, %convert_element_type3A_871, %cond3A_872 : i32
    scf.if %cond3A_873 {
      %swap3A_949 = arith.constant 6656 : index
      %swap3A_950 = vector.load %arg7[%swap3A_949] : memref<8192xf32, #tpu.memory_space<vmem>>, vector<512xf32>
      tpu.vector_store %arg7[%swap3A_949], %reduce_sum3A_868 {strides = array<i32>} : memref<8192xf32, #tpu.memory_space<vmem>>, vector<512xf32>,
    } else {
    }
    %gt3A_874 = arith.constant 0 : i32
    %gt3A_875 = arith.cmpi sgt, %arg0, %gt3A_874 : i32
    %convert_element_type3A_876 = arith.extui %gt3A_875 : i1 to i32
    %cond3A_877 = arith.constant 0 : i32
    %cond3A_878 = arith.cmpi ne, %convert_element_type3A_876, %cond3A_877 : i32
    scf.if %cond3A_878 {
      %get3A_949 = arith.constant 6656 : index
      %get3A_950 = vector.load %arg7[%get3A_949] : memref<8192xf32, #tpu.memory_space<vmem>>, vector<512xf32>
      %add3A_951 = arith.addf %get3A_950, %reduce_sum3A_868 : vector<512xf32>
      %swap3A_952 = arith.constant 6656 : index
      %swap3A_953 = vector.load %arg7[%swap3A_952] : memref<8192xf32, #tpu.memory_space<vmem>>, vector<512xf32>
      tpu.vector_store %arg7[%swap3A_952], %add3A_951 {strides = array<i32>} : memref<8192xf32, #tpu.memory_space<vmem>>, vector<512xf32>,
    } else {
    }
    %iota3A_879 = tpu.iota {dimensions = array<i32: 1>} : vector<256x512xi32>
    %add3A_880 = arith.constant 7168 : i32
    %add3A_881 = vector.broadcast %add3A_880 : i32 to vector<256x512xi32>
    %add3A_882 = arith.addi %iota3A_879, %add3A_881 : vector<256x512xi32>
    %broadcast_in_dim3A_883 = vector.shape_cast %select_n3A_539 : vector<256xi32> to vector<256x1xi32>
    %eq3A_884 = vector.broadcast %broadcast_in_dim3A_883 : vector<256x1xi32> to vector<256x512xi32>
    %eq3A_885 = arith.cmpi eq, %add3A_882, %eq3A_884 : vector<256x512xi32>
    %convert_element_type3A_886 = arith.extui %eq3A_885 : vector<256x512xi1> to vector<256x512xi32>
    %convert_element_type3A_887 = arith.sitofp %convert_element_type3A_886 : vector<256x512xi32> to vector<256x512xf32>
    %swap3A_888 = arith.constant 0 : index
    %swap3A_889 = arith.constant 7168 : index
    %swap3A_890 = vector.load %arg4[%swap3A_888, %swap3A_889] : memref<256x8192xf32, #tpu.memory_space<vmem>>, vector<256x512xf32>
    tpu.vector_store %arg4[%swap3A_888, %swap3A_889], %convert_element_type3A_887 {strides = array<i32>} : memref<256x8192xf32, #tpu.memory_space<vmem>>, vector<256x512xf32>,
    %reduce_sum3A_891 = arith.constant dense<0.000000e+00> : vector<512xf32>
    %reduce_sum3A_892 = vector.multi_reduction <add>, %convert_element_type3A_887, %reduce_sum3A_891 [0] : vector<256x512xf32> to vector<512xf32>
    %eq3A_893 = arith.constant 0 : i32
    %eq3A_894 = arith.cmpi eq, %arg0, %eq3A_893 : i32
    %convert_element_type3A_895 = arith.extui %eq3A_894 : i1 to i32
    %cond3A_896 = arith.constant 0 : i32
    %cond3A_897 = arith.cmpi ne, %convert_element_type3A_895, %cond3A_896 : i32
    scf.if %cond3A_897 {
      %swap3A_949 = arith.constant 7168 : index
      %swap3A_950 = vector.load %arg7[%swap3A_949] : memref<8192xf32, #tpu.memory_space<vmem>>, vector<512xf32>
      tpu.vector_store %arg7[%swap3A_949], %reduce_sum3A_892 {strides = array<i32>} : memref<8192xf32, #tpu.memory_space<vmem>>, vector<512xf32>,
    } else {
    }
    %gt3A_898 = arith.constant 0 : i32
    %gt3A_899 = arith.cmpi sgt, %arg0, %gt3A_898 : i32
    %convert_element_type3A_900 = arith.extui %gt3A_899 : i1 to i32
    %cond3A_901 = arith.constant 0 : i32
    %cond3A_902 = arith.cmpi ne, %convert_element_type3A_900, %cond3A_901 : i32
    scf.if %cond3A_902 {
      %get3A_949 = arith.constant 7168 : index
      %get3A_950 = vector.load %arg7[%get3A_949] : memref<8192xf32, #tpu.memory_space<vmem>>, vector<512xf32>
      %add3A_951 = arith.addf %get3A_950, %reduce_sum3A_892 : vector<512xf32>
      %swap3A_952 = arith.constant 7168 : index
      %swap3A_953 = vector.load %arg7[%swap3A_952] : memref<8192xf32, #tpu.memory_space<vmem>>, vector<512xf32>
      tpu.vector_store %arg7[%swap3A_952], %add3A_951 {strides = array<i32>} : memref<8192xf32, #tpu.memory_space<vmem>>, vector<512xf32>,
    } else {
    }
    %iota3A_903 = tpu.iota {dimensions = array<i32: 1>} : vector<256x512xi32>
    %add3A_904 = arith.constant 7680 : i32
    %add3A_905 = vector.broadcast %add3A_904 : i32 to vector<256x512xi32>
    %add3A_906 = arith.addi %iota3A_903, %add3A_905 : vector<256x512xi32>
    %broadcast_in_dim3A_907 = vector.shape_cast %select_n3A_539 : vector<256xi32> to vector<256x1xi32>
    %eq3A_908 = vector.broadcast %broadcast_in_dim3A_907 : vector<256x1xi32> to vector<256x512xi32>
    %eq3A_909 = arith.cmpi eq, %add3A_906, %eq3A_908 : vector<256x512xi32>
    %convert_element_type3A_910 = arith.extui %eq3A_909 : vector<256x512xi1> to vector<256x512xi32>
    %convert_element_type3A_911 = arith.sitofp %convert_element_type3A_910 : vector<256x512xi32> to vector<256x512xf32>
    %swap3A_912 = arith.constant 0 : index
    %swap3A_913 = arith.constant 7680 : index
    %swap3A_914 = vector.load %arg4[%swap3A_912, %swap3A_913] : memref<256x8192xf32, #tpu.memory_space<vmem>>, vector<256x512xf32>
    tpu.vector_store %arg4[%swap3A_912, %swap3A_913], %convert_element_type3A_911 {strides = array<i32>} : memref<256x8192xf32, #tpu.memory_space<vmem>>, vector<256x512xf32>,
    %reduce_sum3A_915 = arith.constant dense<0.000000e+00> : vector<512xf32>
    %reduce_sum3A_916 = vector.multi_reduction <add>, %convert_element_type3A_911, %reduce_sum3A_915 [0] : vector<256x512xf32> to vector<512xf32>
    %eq3A_917 = arith.constant 0 : i32
    %eq3A_918 = arith.cmpi eq, %arg0, %eq3A_917 : i32
    %convert_element_type3A_919 = arith.extui %eq3A_918 : i1 to i32
    %cond3A_920 = arith.constant 0 : i32
    %cond3A_921 = arith.cmpi ne, %convert_element_type3A_919, %cond3A_920 : i32
    scf.if %cond3A_921 {
      %swap3A_949 = arith.constant 7680 : index
      %swap3A_950 = vector.load %arg7[%swap3A_949] : memref<8192xf32, #tpu.memory_space<vmem>>, vector<512xf32>
      tpu.vector_store %arg7[%swap3A_949], %reduce_sum3A_916 {strides = array<i32>} : memref<8192xf32, #tpu.memory_space<vmem>>, vector<512xf32>,
    } else {
    }
    %gt3A_922 = arith.constant 0 : i32
    %gt3A_923 = arith.cmpi sgt, %arg0, %gt3A_922 : i32
    %convert_element_type3A_924 = arith.extui %gt3A_923 : i1 to i32
    %cond3A_925 = arith.constant 0 : i32
    %cond3A_926 = arith.cmpi ne, %convert_element_type3A_924, %cond3A_925 : i32
    scf.if %cond3A_926 {
      %get3A_949 = arith.constant 7680 : index
      %get3A_950 = vector.load %arg7[%get3A_949] : memref<8192xf32, #tpu.memory_space<vmem>>, vector<512xf32>
      %add3A_951 = arith.addf %get3A_950, %reduce_sum3A_916 : vector<512xf32>
      %swap3A_952 = arith.constant 7680 : index
      %swap3A_953 = vector.load %arg7[%swap3A_952] : memref<8192xf32, #tpu.memory_space<vmem>>, vector<512xf32>
      tpu.vector_store %arg7[%swap3A_952], %add3A_951 {strides = array<i32>} : memref<8192xf32, #tpu.memory_space<vmem>>, vector<512xf32>,
    } else {
    }
    %reduce_sum3A_927 = vector.shape_cast %select_n3A_540 : vector<256xf32> to vector<1x256xf32>
    %reduce_sum3A_928 = arith.constant dense<0.000000e+00> : vector<1xf32>
    %reduce_sum3A_929 = vector.multi_reduction <add>, %reduce_sum3A_927, %reduce_sum3A_928 [1] : vector<1x256xf32> to vector<1xf32>
    %reduce_sum3A_930 = vector.shape_cast %reduce_sum3A_929 : vector<1xf32> to vector<1x1xf32>
    %reduce_sum3A_931 = vector.extract %reduce_sum3A_930[0, 0] : f32 from vector<1x1xf32>
    %reshape3A = vector.broadcast %reduce_sum3A_931 : f32 to vector<1x1xf32>
    %eq3A_932 = arith.constant 0 : i32
    %eq3A_933 = arith.cmpi eq, %arg0, %eq3A_932 : i32
    %convert_element_type3A_934 = arith.extui %eq3A_933 : i1 to i32
    %cond3A_935 = arith.constant 0 : i32
    %cond3A_936 = arith.cmpi ne, %convert_element_type3A_934, %cond3A_935 : i32
    scf.if %cond3A_936 {
      %broadcast_in_dim3A_949 = arith.constant 0.000000e+00 : f32
      %broadcast_in_dim3A_950 = vector.broadcast %broadcast_in_dim3A_949 : f32 to vector<1x1xf32>
      %swap3A_951 = arith.constant 0 : index
      %swap3A_952 = arith.constant 0 : index
      %swap3A_953 = vector.load %arg5[%swap3A_951, %swap3A_952] : memref<1x1xf32, #tpu.memory_space<vmem>>, vector<1x1xf32>
      tpu.vector_store %arg5[%swap3A_951, %swap3A_952], %broadcast_in_dim3A_950 {strides = array<i32>} : memref<1x1xf32, #tpu.memory_space<vmem>>, vector<1x1xf32>,
      %broadcast_in_dim3A_954 = arith.constant 0.000000e+00 : f32
      %broadcast_in_dim3A_955 = vector.broadcast %broadcast_in_dim3A_954 : f32 to vector<1x1xf32>
      %swap3A_956 = arith.constant 0 : index
      %swap3A_957 = arith.constant 0 : index
      %swap3A_958 = vector.load %arg6[%swap3A_956, %swap3A_957] : memref<1x1xf32, #tpu.memory_space<vmem>>, vector<1x1xf32>
      tpu.vector_store %arg6[%swap3A_956, %swap3A_957], %broadcast_in_dim3A_955 {strides = array<i32>} : memref<1x1xf32, #tpu.memory_space<vmem>>, vector<1x1xf32>,
    } else {
    }
    %get3A_937 = arith.constant 0 : index
    %get3A_938 = arith.constant 0 : index
    %get3A_939 = vector.load %arg5[%get3A_937, %get3A_938] : memref<1x1xf32, #tpu.memory_space<vmem>>, vector<1x1xf32>
    %add3A_940 = arith.addf %get3A_939, %reshape3A : vector<1x1xf32>
    %swap3A_941 = arith.constant 0 : index
    %swap3A_942 = arith.constant 0 : index
    %swap3A_943 = vector.load %arg5[%swap3A_941, %swap3A_942] : memref<1x1xf32, #tpu.memory_space<vmem>>, vector<1x1xf32>
    tpu.vector_store %arg5[%swap3A_941, %swap3A_942], %add3A_940 {strides = array<i32>} : memref<1x1xf32, #tpu.memory_space<vmem>>, vector<1x1xf32>,
    %eq3A_944 = arith.constant 31 : i32
    %eq3A_945 = arith.cmpi eq, %arg0, %eq3A_944 : i32
    %convert_element_type3A_946 = arith.extui %eq3A_945 : i1 to i32
    %cond3A_947 = arith.constant 0 : i32
    %cond3A_948 = arith.cmpi ne, %convert_element_type3A_946, %cond3A_947 : i32
    scf.if %cond3A_948 {
      %get3A_949 = arith.constant 0 : index
      %get3A_950 = arith.constant 0 : index
      %get3A_951 = vector.load %arg5[%get3A_949, %get3A_950] : memref<1x1xf32, #tpu.memory_space<vmem>>, vector<1x1xf32>
      %mul3A_952 = arith.constant 1.1920929E-7 : f32
      %mul3A_953 = vector.broadcast %mul3A_952 : f32 to vector<1x1xf32>
      %mul3A_954 = arith.mulf %get3A_951, %mul3A_953 : vector<1x1xf32>
      %swap3A_955 = arith.constant 0 : index
      %swap3A_956 = arith.constant 0 : index
      %swap3A_957 = vector.load %arg5[%swap3A_955, %swap3A_956] : memref<1x1xf32, #tpu.memory_space<vmem>>, vector<1x1xf32>
      tpu.vector_store %arg5[%swap3A_955, %swap3A_956], %mul3A_954 {strides = array<i32>} : memref<1x1xf32, #tpu.memory_space<vmem>>, vector<1x1xf32>,
      %get3A_958 = arith.constant 0 : index
      %get3A_959 = vector.load %arg7[%get3A_958] : memref<8192xf32, #tpu.memory_space<vmem>>, vector<8192xf32>
      %mul3A_960 = arith.constant 1.22070313E-4 : f32
      %mul3A_961 = vector.broadcast %mul3A_960 : f32 to vector<8192xf32>
      %mul3A_962 = arith.mulf %get3A_959, %mul3A_961 : vector<8192xf32>
      %add3A_963 = arith.constant 1.000000e-10 : f32
      %add3A_964 = vector.broadcast %add3A_963 : f32 to vector<8192xf32>
      %add3A_965 = arith.addf %mul3A_962, %add3A_964 : vector<8192xf32>
      %log3A = math.log %add3A_965 : vector<8192xf32>
      %mul3A_966 = arith.mulf %mul3A_962, %log3A : vector<8192xf32>
      %reduce_sum3A_967 = vector.shape_cast %mul3A_966 : vector<8192xf32> to vector<1x8192xf32>
      %reduce_sum3A_968 = arith.constant dense<0.000000e+00> : vector<1xf32>
      %reduce_sum3A_969 = vector.multi_reduction <add>, %reduce_sum3A_967, %reduce_sum3A_968 [1] : vector<1x8192xf32> to vector<1xf32>
      %reduce_sum3A_970 = vector.shape_cast %reduce_sum3A_969 : vector<1xf32> to vector<1x1xf32>
      %reduce_sum3A_971 = vector.extract %reduce_sum3A_970[0, 0] : f32 from vector<1x1xf32>
      %neg3A = arith.constant 0.000000e+00 : f32
      %neg3A_972 = arith.subf %neg3A, %reduce_sum3A_971 : f32
      %reshape3A_973 = vector.broadcast %neg3A_972 : f32 to vector<1x1xf32>
      %swap3A_974 = arith.constant 0 : index
      %swap3A_975 = arith.constant 0 : index
      %swap3A_976 = vector.load %arg6[%swap3A_974, %swap3A_975] : memref<1x1xf32, #tpu.memory_space<vmem>>, vector<1x1xf32>
      tpu.vector_store %arg6[%swap3A_974, %swap3A_975], %reshape3A_973 {strides = array<i32>} : memref<1x1xf32, #tpu.memory_space<vmem>>, vector<1x1xf32>,
    } else {
    }
    return
  }
  func.func @transform_0(%arg0: i32) -> (i32, i32) {
    %c0_i32 = arith.constant 0 : i32
    %c0_i32_0 = arith.constant 0 : i32
    return %arg0, %c0_i32 : i32, i32
  }
  func.func @transform_1(%arg0: i32) -> (i32, i32) {
    %c0_i32 = arith.constant 0 : i32
    %c0_i32_0 = arith.constant 0 : i32
    %c0_i32_1 = arith.constant 0 : i32
    return %c0_i32, %c0_i32_0 : i32, i32
  }
  func.func @transform_2(%arg0: i32) -> (i32, i32, i32) {
    %c0_i32 = arith.constant 0 : i32
    %c0_i32_0 = arith.constant 0 : i32
    %c0_i32_1 = arith.constant 0 : i32
    return %arg0, %c0_i32, %c0_i32_0 : i32, i32, i32
  }
  func.func @transform_3(%arg0: i32) -> (i32, i32) {
    %c0_i32 = arith.constant 0 : i32
    %c0_i32_0 = arith.constant 0 : i32
    return %arg0, %c0_i32 : i32, i32
  }
  func.func @transform_4(%arg0: i32) -> (i32, i32) {
    %c0_i32 = arith.constant 0 : i32
    %c0_i32_0 = arith.constant 0 : i32
    %c0_i32_1 = arith.constant 0 : i32
    return %c0_i32, %c0_i32_0 : i32, i32
  }
  func.func @transform_5(%arg0: i32) -> (i32, i32) {
    %c0_i32 = arith.constant 0 : i32
    %c0_i32_0 = arith.constant 0 : i32
    %c0_i32_1 = arith.constant 0 : i32
    return %c0_i32, %c0_i32_0 : i32, i32
  }
}

</mosaic_0001>

<sc_bundles>
// kernel: kernel.4.cloned.1.call-start
scs
__scs_entry_jumppad:
0x0: {  	(pc) =	sbr.rel $0x88, $3  }
0x1: {  	(tag) =	ssettag $0x0;
	lr =	simm.s32 $0x1  }
0x2: {  	[smem:$0x3F9F] =	sst lr;
	_ =	strace $0xD0000000  }
0x3: {  	_ = 	snop  }
0x4: {  	_ = 	snop  }
0x5: {  	_ = 	snop  }
0x6: {  	_ = 	snop  }
0x7: {  	_ = 	snop  }
__scs_overlays_trampoline_lowered:
0x8: {  	[smem:$0x3FAE] =	sst s0  }
0x9: {  	[smem:$0x3FAF] =	sst s1  }
0xa: {  	[smem:$0x3FB0] =	sst s2  }
0xb: {  	[smem:$0x3FB1] =	sst s3  }
0xc: {  	[smem:$0x3FB2] =	sst s4  }
0xd: {  	[smem:$0x3FB3] =	sst s5  }
0xe: {  	[smem:$0x3FB4] =	sst s6  }
0xf: {  	[smem:$0x3FB5] =	sst s7  }
0x10: {  	[smem:$0x3FB6] =	sst s8  }
0x11: {  	[smem:$0x3FB7] =	sst s9;
	s0 =	simm.s32 @!p0 $0x0  }
0x12: {  	s1 =	sld [smem:$0x3F9D];
	s0 =	simm.s32 @p0 $0x1  }
0x13: {  	[smem:$0x3FB8] =	sst s0;
	s0 =	simm.s32 @!p1 $0x0  }
0x14: {  	s2 =	sld [smem:$0x3F9C];
	s0 =	simm.s32 @p1 $0x1  }
0x15: {  	[smem:$0x3FB9] =	sst s0;
	s0 =	simm.s32 @!p2 $0x0  }
0x16: {  	s3 =	sld [smem:$0x3FDB];
	s0 =	simm.s32 @p2 $0x1  }
0x17: {  	s4 =	simm.s32 $0x1BF5;
	[smem:$0x3FBB] =	sst s0  }
0x18: {  	s0 =	sld [smem:$0x3F9E];
	_ =	swait.ge [sflag:s4], $0x0  }
0x19: {  	s7 =	sld [smem:$0x3F9F]  }
0x1a: {  	s8 =	sadd.s32 $0xFFFFE003, lr  }
0x1b: {  	s9 =	sadd.s32 $0xFFFFFEF7, lr;
	s5 =	simm.s32 $0xFFFFFFFF;
	p2 =	slt.u32 s8, $0xFFFFF086  }
0x1c: {  	p1 =	slt.u32 s9, $0xF7A;
	s5 =	simm.s32 @!p2 $0x0  }
0x1d: {  	s5 =	simm.s32 @p1 $0x1;
	p0 =	seq.s32 s7, s2  }
0x1e: {  	s7 =	smul.u32 @!p0 $0xF7A, s2;
	p2 =	seq.s32 @!p0 s5, $0x0  }
0x1f: {  	s9 =	smul.u32 $0xF7A, s1;
	s8 =	simm.s32 @!p0 $0x1BF5;
	p2 =	por !p2, p0  }
0x20: {  	[sflag:s8] =	ssyncset.s32 @!p0 $0xFFFFF086;
	s6 =	sadd.s32 @!p0 s3, s7;
	s7 =	simm.s32 @!p0 $0x108  }
0x21: {  	s3 =	sadd.s32 s3, s9;
	s6 =	sadd.s32 @!p0 $0x88, s6;
	s7 =	simm.s32 @p2 $0x1082  }
0x22: {  	[simem:s7], [sflag:s8] =	dma.local @!p0 [hbm:s6], $0xF7A  }
0x23: {  	s9 =	sor.u32 $0xD0000000, s2;
	s6 =	simm.s32 $0x108;
	_ =	swait.ge @!p0 [sflag:s8], $0x0  }
0x24: {  	s3 =	sadd.s32 $0x88, s3;
	s6 =	simm.s32 @!p1 $0x1082;
	[sflag:s4] =	ssyncset.s32 $0xFFFFF086  }
0x25: {  	[simem:s6], [sflag:s4] =	dma.local [hbm:s3], $0xF7A  }
0x26: {  	[smem:$0x3F9F] =	sst s1;
	(tag) =	ssettag s2;
	_ =	strace s9  }
0x27: {  	s1 =	sld [smem:$0x3FAF]  }
0x28: {  	s2 =	sld [smem:$0x3FB0]  }
0x29: {  	s4 =	sld [smem:$0x3FB2]  }
0x2a: {  	p0 =	seq.s32 s5, $0x0;
	s5 =	sld [smem:$0x3FB3]  }
0x2b: {  	s6 =	sld [smem:$0x3FB4]  }
0x2c: {  	s7 =	sld [smem:$0x3FB5]  }
0x2d: {  	s3 =	simm.s32 $0x108;
	s8 =	sld [smem:$0x3FB6]  }
0x2e: {  	s3 =	simm.s32 @!p0 $0x1082;
	s9 =	sld [smem:$0x3FB7]  }
0x2f: {  	lr =	sadd.s32 s0, s3;
	s0 =	sld [smem:$0x3FAE]  }
0x30: {  	s3 =	sld [smem:$0x3FB1]  }
0x31: {  	[smem:$0x3FBA] =	sst s10  }
0x32: {  	s10 =	sld [smem:$0x3FB8];
	_ =	sdelay $0x3  }
0x33: {  	p0 =	seq.s32 s10, $0x1;
	s10 =	sld [smem:$0x3FBA];
	_ =	sdelay $0x3  }
0x34: {  	[smem:$0x3FBA] =	sst s10  }
0x35: {  	s10 =	sld [smem:$0x3FB9];
	_ =	sdelay $0x3  }
0x36: {  	p1 =	seq.s32 s10, $0x1;
	s10 =	sld [smem:$0x3FBA];
	_ =	sdelay $0x3  }
0x37: {  	[smem:$0x3FBA] =	sst s10  }
0x38: {  	s10 =	sld [smem:$0x3FBB]  }
0x39: {  	_ = 	snop;
	(pc) =	sbr.ind lr, $3  }
0x3a: {  	_ = 	snop  }
0x3b: {  	_ = 	snop  }
0x3c: {  	p2 =	seq.s32 s10, $0x1;
	s10 =	sld [smem:$0x3FBA]  }
0x3d: {  	_ =	shalt  }
0x3e: {  	_ =	shalt  }
0x3f: {  	_ =	shalt  }
0x40: {  	_ =	shalt  }
0x41: {  	_ =	shalt  }
0x42: {  	_ =	shalt  }
0x43: {  	_ =	shalt  }
0x44: {  	_ =	shalt  }
0x45: {  	_ =	shalt  }
0x46: {  	_ =	shalt  }
0x47: {  	_ =	shalt  }
0x48: {  	_ =	shalt  }
0x49: {  	_ =	shalt  }
0x4a: {  	_ =	shalt  }
0x4b: {  	_ =	shalt  }
0x4c: {  	_ =	shalt  }
0x4d: {  	_ =	shalt  }
0x4e: {  	_ =	shalt  }
0x4f: {  	_ =	shalt  }
0x50: {  	_ =	shalt  }
0x51: {  	_ =	shalt  }
0x52: {  	_ =	shalt  }
0x53: {  	_ =	shalt  }
0x54: {  	_ =	shalt  }
0x55: {  	_ =	shalt  }
0x56: {  	_ =	shalt  }
0x57: {  	_ =	shalt  }
0x58: {  	_ =	shalt  }
0x59: {  	_ =	shalt  }
0x5a: {  	_ =	shalt  }
0x5b: {  	_ =	shalt  }
0x5c: {  	_ =	shalt  }
0x5d: {  	_ =	shalt  }
0x5e: {  	_ =	shalt  }
0x5f: {  	_ =	shalt  }
0x60: {  	_ =	shalt  }
0x61: {  	_ =	shalt  }
0x62: {  	_ =	shalt  }
0x63: {  	_ =	shalt  }
0x64: {  	_ =	shalt  }
0x65: {  	_ =	shalt  }
0x66: {  	_ =	shalt  }
0x67: {  	_ =	shalt  }
0x68: {  	_ =	shalt  }
0x69: {  	_ =	shalt  }
0x6a: {  	_ =	shalt  }
0x6b: {  	_ =	shalt  }
0x6c: {  	_ =	shalt  }
0x6d: {  	_ =	shalt  }
0x6e: {  	_ =	shalt  }
0x6f: {  	_ =	shalt  }
0x70: {  	_ =	shalt  }
0x71: {  	_ =	shalt  }
0x72: {  	_ =	shalt  }
0x73: {  	_ =	shalt  }
0x74: {  	_ =	shalt  }
0x75: {  	_ =	shalt  }
0x76: {  	_ =	shalt  }
0x77: {  	_ =	shalt  }
0x78: {  	_ =	shalt  }
0x79: {  	_ =	shalt  }
0x7a: {  	_ =	shalt  }
0x7b: {  	_ =	shalt  }
0x7c: {  	_ =	shalt  }
0x7d: {  	_ =	shalt  }
0x7e: {  	_ =	shalt  }
0x7f: {  	_ =	shalt  }
0x80: {  	_ =	shalt  }
0x81: {  	_ =	shalt  }
0x82: {  	_ =	shalt  }
0x83: {  	_ =	shalt  }
0x84: {  	_ =	shalt  }
0x85: {  	_ =	shalt  }
0x86: {  	_ =	shalt  }
0x87: {  	_ =	shalt  }
.Lfunc_end0:
.L_simem_size_0:
called_computation_lowered:
.L_overlay_start_0:
0x88: {  	s2 =	sld [smem:$0x3FD9]  }
0x89: {  	s3 =	sld [smem:$0x3FFE];
	_ =	sdelay $0x1  }
0x8a: {  	s1 =	srdreg.scid  }
0x8b: {  	s0 =	sand.u32 $0x1, s1  }
0x8c: {  	s14 =	sshll.u32 s0, $0xA;
	s2 =	sadd.s32 s3, s2  }
0x8d: {  	s2 =	sadd.s32 s2, s14  }
0x8e: {  	[smem:$0x3FC6] =	sst s2  }
0x8f: {  	_ = 	snop  }
0x90: {  	s2 =	sld [smem:$0x3FD0];
	_ =	sdelay $0x2  }
0x91: {  	s4 =	simm.s32 $0xA;
	s5 =	simm.s32 $0x10;
	s15 =	sld [smem:$0x3FC8]  }
0x92: {  	[smem:s5], [sflag:s4] =	dma.local [hbm:s2], $0x1  }
0x93: {  	_ =	swait.eq [sflag:s4], $0x1  }
0x94: {  	[sflag:s4] =	ssyncset.done $0x0  }
0x95: {  	[sflag:s4] =	ssyncadd.s32 $0xFFFFFFFF  }
0x96: {  	s16 =	sld [smem:$0x10];
	(tm) =	ssettm $0x1  }
0x97: {  	s17 =	sld [smem:$0x3FFB];
	_ =	sdelay $0x3  }
0x98: {  	_ =	strace s17  }
0x99: {  	s4 =	sld [smem:$0x3FFC];
	_ =	sdelay $0x3  }
0x9a: {  	_ =	strace s4  }
0x9b: {  	s4 =	sld [smem:$0x3FFD];
	_ =	sdelay $0x3  }
0x9c: {  	_ =	strace s4  }
0x9d: {  	_ =	strace $0x8FFFFFFF  }
0x9e: {  	s18 =	sld [smem:$0x3FDB];
	_ =	sdelay $0x1  }
0x9f: {  	s19 =	simm.s32 $_scs_section_size  }
0xa0: {  	s6 =	simm.s32 $_size__tile_overlayer_lowered;
	s7 =	simm.s32 $_tile_overlayer_lowered  }
0xa1: {  	s22 =	simm.s32 $0x1BFF;
	s21 =	sshll.u32 s7, $0x1;
	s4 =	sadd.s32 s19, s18  }
0xa2: {  	s8 =	simm.s32 $0x0;
	s20 =	sshll.u32 s6, $0x1;
	s6 =	sadd.s32 s21, s4  }
0xa3: {  	[timem:s8], [sflag:s22] =	dma.local [hbm:s6], s20  }
0xa4: {  	_ =	swait.ge [sflag:s22], s20  }
0xa5: {  	s5 =	ssub.s32 $0x0, s20;
	[sflag:s22] =	ssyncset.done $0x0  }
0xa6: {  	[sflag:s22] =	ssyncadd.s32 s5;
	_ =	sdelay $0x1  }
0xa7: {  	s23 =	simm.s32 $0x1B8B  }
0xa8: {  	_ =	swait.ge [sflag:s23], $0x1  }
0xa9: {  	[sflag:s23] =	ssyncset.done $0x0  }
0xaa: {  	s25 =	simm.s32 $0x1B8E;
	s24 =	sld [smem:$0x3FFE];
	[sflag:s23] =	ssyncadd.s32 $0xFFFFFFFF  }
0xab: {  	s26 =	simm.s32 $execute0_lowered;
	[smem:$0x3FD2] =	sst s25  }
0xac: {  	s6 =	sshll.u32 s26, $0x1;
	_ =	strace $0x80000046;
	[dreg:$0x1] =	wrdreg $0xFFFFFFFF  }
0xad: {  	s28 =	simm.s32 $_size_execute0_lowered;
	s4 =	sadd.s32 s4, s6;
	[dreg:$0x0] =	wrdreg $0x0  }
0xae: {  	s6 =	sshll.u32 s28, $0x1;
	[dreg:$0x2] =	wrdreg s4  }
0xaf: {  	[dreg:$0x3] =	wrdreg s6  }
0xb0: {  	[dreg:$0x4] =	wrdreg $0xC0  }
0xb1: {  	_ =	task [dreg:s8], $0x5FFFF  }
0xb2: {  	[dreg:$0x1] =	wrdreg $0xFFFFFFFF  }
0xb3: {  	[dreg:$0x0] =	wrdreg $0x60  }
0xb4: {  	[dreg:$0x2] =	wrdreg s15  }
0xb5: {  	[dreg:$0x3] =	wrdreg s24  }
0xb6: {  	[dreg:$0x4] =	wrdreg s16  }
0xb7: {  	[dreg:$0x5] =	wrdreg $0x9  }
0xb8: {  	_ =	task.clear_ibuf [dreg:s8], $0x6FFFF;
	_ =	strace $0x90000046  }
0xb9: {  	s29 =	simm.s32 $0x9;
	_ =	strace $0x80000048  }
0xba: {  	_ =	swait.ge [sflag:s29], $0x1  }
0xbb: {  	[sflag:s29] =	ssyncadd.s32 $0xFFFFFFFF  }
0xbc: {  	_ =	strace $0x90000048  }
0xbd: {  	_ =	sfence  }
0xbe: {  	s30 =	sld [smem:$0x0];
	_ =	sdelay $0x2  }
0xbf: {  	s31 =	sshll.u32 s1, $0xD;
	s1 =	sshrl.u32 s1, $0x2  }
0xc0: {  	s3 =	sand.u32 $0x4000, s31;
	s1 =	sadd.s32 s1, s30  }
0xc1: {  	s0 =	sor.u32 s3, s0;
	s1 =	sshll.u32 s1, $0x11  }
0xc2: {  	s0 =	sor.u32 s1, s0  }
0xc3: {  	s0 =	sadd.s32 $0x8F2B, s0  }
0xc4: {  	[sflag:s0] =	ssyncadd.remote.s32 $0x1  }
0xc5: {  	_ =	sfence.sel $0xFFFF  }
0xc6: {  	[dreg:$0x0] =	wrdreg $0xFFFFFFFF;
	(pc) =	sbr.abs _section_cstart, $3  }
0xc7: {  	[dreg:$0x1] =	wrdreg $0xFFFFFFFF  }
0xc8: {  	_ =	task.clear_ibuf [dreg:s8], $0x2FFFF;
	_ =	strace $0x9FFFFFFF  }
0xc9: {  	(tm) =	ssettm $0x7FFFFFFF  }
tec
execute0_lowered:
.L_overlay_start_1:
0x0: {  	(tag) =	ssettag $0x1  }
0x1: {  	s1 =	rddreg [dreg:$0x0]  }
0x2: {  	s4 =	rddreg [dreg:$0x1]  }
0x3: {  	s7 =	rddreg [dreg:$0x2]  }
0x4: {  	s0 =	rddreg [dreg:$0x3];
	s3 =	simm.s32 $0x0;
	s5 =	srdreg.scid  }
0x5: {  	s2 =	stileid.u32;
	s11 =	simm.s32 $0x880;
	s12 =	simm.s32 $0x1080  }
0x6: {  	s13 =	simm.s32 $0x1880;
	s14 =	simm.s32 $0x2080;
	s15 =	simm.s32 $0x2880  }
0x7: {  	s16 =	simm.s32 $0x3080;
	s17 =	simm.s32 $0x3880;
	s18 =	simm.s32 $0x4080  }
0x8: {  	s19 =	simm.s32 $0x4880;
	s20 =	simm.s32 $0x5080;
	s21 =	simm.s32 $0x5880  }
0x9: {  	s22 =	simm.s32 $0x6080;
	s23 =	simm.s32 $0x6880;
	s24 =	simm.s32 $0x7080  }
0xa: {  	s25 =	simm.s32 $0x7880;
	s26 =	simm.s32 $0x1;
	s5 =	sand.u32 $0x1, s5  }
0xb: {  	[smem:$0x7FF] =	sst s3;
	s8 =	sshll.u32 s2, $0x9;
	s6 =	ssub.s32 $0x2, s5  }
0xc: {  	s28 =	sadd.s32 $0xC00, s4;
	s5 =	sshll.u32 s5, $0x8;
	s9 =	sshrl.u32 s6, $0x1  }
0xd: {  	_ =	strace $0x80000047;
	s5 =	sor.u32 s5, s8;
	s9 =	ssub.s32 s6, s9  }
0xe: {  	s29 =	sshrl.u32 s5, $0x3;
	s30 =	sshll.u32 s5, $0x5;
	s10 =	sor.u32 $0x80, s5  }
0xf: {  	v2 =	vlaneseq.u32;
	s4 =	sadd.s32 s28, s29;
	s5 =	sadd.s32 s7, s30;
	s31 =	sshrl.u32 s10, $0x3  }
0x10: {  	vm0 =	vmmov $0xffff;
	v1 =	vshrl.u32 v2, $0x3;
	s10 =	sshll.u32 s10, $0x5;
	s8 =	smax.u32 s9, $0x1;
	s9 =	simm.s32 $0x2  }
0x11: {  	v0 =	vand.u32 $0x7, v2;
	v2 =	vor.u32 $0x8, v2;
	v1 =	vmul.u32 $0x8, v1;
	s6 =	sadd.s32 s28, s31;
	s7 =	sadd.s32 s7, s10;
	s10 =	simm.s32 $0x80  }
.LBB2_1:
0x12: {  	[tilespmem:s3], [sflag:$0x2] =	stream.linear.gather [hbm4b:s4+s3], $0x80, $0x38;
	[tilespmem:$0x8080] =	vst v63  }
0x13: {  	_ =	swait.ge [sflag:s9], $0x80  }
0x14: {  	[sflag:s9] =	ssyncset.done $0x0  }
0x15: {  	[sflag:s9] =	ssyncadd.s32 $0xFFFFFF80  }
0x16: {  	v3 =	vld [tilespmem:$0x0];
	_ =	sdelay $0x4  }
0x17: {  	v4 =	vshll.u32 v3, $0x1  }
0x18: {  	v3 =	vand.u32 $0x7, v3;
	v4 =	vand.u32 $0xFFFFFFF0, v4  }
0x19: {  	v3 =	vor.u32 v3, v4  }
0x1a: {  	v4 =	vperm.xlane v3, v0;
	_ =	sdelay $0x1  }
0x1b: {  	v3 =	vperm.xlane v3, v2;
	v4 =	vadd.s32 v1, v4;
	_ =	sdelay $0x1  }
0x1c: {  	v3 =	vadd.s32 v1, v3;
	_ =	sdelay $0x2  }
0x1d: {  	[tilespmem:s10], [sflag:$0x1] =	stream.indirect_vreg.gather [hbm4b:s1+s3], $0x80, v4, vm0, $0xb8;
	[tilespmem:$0x8080] =	vst v63  }
0x1e: {  	_ = 	snop  }
0x1f: {  	[tilespmem:s11], [sflag:$0x1] =	stream.indirect_vreg.gather [hbm4b:s1+s3], $0x80, v3, vm0, $0xb8;
	[tilespmem:$0x8080] =	vst v63  }
0x20: {  	v3 =	vld [tilespmem:$0x10];
	_ =	sdelay $0x4  }
0x21: {  	v49 =	vshll.u32 v3, $0x1  }
0x22: {  	v3 =	vand.u32 $0x7, v3;
	v4 =	vand.u32 $0xFFFFFFF0, v49  }
0x23: {  	v3 =	vor.u32 v3, v4  }
0x24: {  	v4 =	vperm.xlane v3, v0;
	_ =	sdelay $0x1  }
0x25: {  	v3 =	vperm.xlane v3, v2;
	v4 =	vadd.s32 v1, v4;
	_ =	sdelay $0x1  }
0x26: {  	v3 =	vadd.s32 v1, v3;
	_ =	sdelay $0x2  }
0x27: {  	[tilespmem:s12], [sflag:$0x1] =	stream.indirect_vreg.gather [hbm4b:s1+s3], $0x80, v4, vm0, $0xb8;
	[tilespmem:$0x8080] =	vst v63  }
0x28: {  	_ = 	snop  }
0x29: {  	[tilespmem:s13], [sflag:$0x1] =	stream.indirect_vreg.gather [hbm4b:s1+s3], $0x80, v3, vm0, $0xb8;
	[tilespmem:$0x8080] =	vst v63  }
0x2a: {  	v3 =	vld [tilespmem:$0x20];
	_ =	sdelay $0x4  }
0x2b: {  	v50 =	vshll.u32 v3, $0x1  }
0x2c: {  	v3 =	vand.u32 $0x7, v3;
	v4 =	vand.u32 $0xFFFFFFF0, v50  }
0x2d: {  	v3 =	vor.u32 v3, v4  }
0x2e: {  	v4 =	vperm.xlane v3, v0;
	_ =	sdelay $0x1  }
0x2f: {  	v3 =	vperm.xlane v3, v2;
	v4 =	vadd.s32 v1, v4;
	_ =	sdelay $0x1  }
0x30: {  	v3 =	vadd.s32 v1, v3;
	_ =	sdelay $0x2  }
0x31: {  	[tilespmem:s14], [sflag:$0x1] =	stream.indirect_vreg.gather [hbm4b:s1+s3], $0x80, v4, vm0, $0xb8;
	[tilespmem:$0x8080] =	vst v63  }
0x32: {  	_ = 	snop  }
0x33: {  	[tilespmem:s15], [sflag:$0x1] =	stream.indirect_vreg.gather [hbm4b:s1+s3], $0x80, v3, vm0, $0xb8;
	[tilespmem:$0x8080] =	vst v63  }
0x34: {  	v3 =	vld [tilespmem:$0x30];
	_ =	sdelay $0x4  }
0x35: {  	v51 =	vshll.u32 v3, $0x1  }
0x36: {  	v3 =	vand.u32 $0x7, v3;
	v4 =	vand.u32 $0xFFFFFFF0, v51  }
0x37: {  	v3 =	vor.u32 v3, v4  }
0x38: {  	v4 =	vperm.xlane v3, v0;
	_ =	sdelay $0x1  }
0x39: {  	v3 =	vperm.xlane v3, v2;
	v4 =	vadd.s32 v1, v4;
	_ =	sdelay $0x1  }
0x3a: {  	v3 =	vadd.s32 v1, v3;
	_ =	sdelay $0x2  }
0x3b: {  	[tilespmem:s16], [sflag:$0x1] =	stream.indirect_vreg.gather [hbm4b:s1+s3], $0x80, v4, vm0, $0xb8;
	[tilespmem:$0x8080] =	vst v63  }
0x3c: {  	_ = 	snop  }
0x3d: {  	[tilespmem:s17], [sflag:$0x1] =	stream.indirect_vreg.gather [hbm4b:s1+s3], $0x80, v3, vm0, $0xb8;
	[tilespmem:$0x8080] =	vst v63  }
0x3e: {  	v3 =	vld [tilespmem:$0x40];
	_ =	sdelay $0x4  }
0x3f: {  	v52 =	vshll.u32 v3, $0x1  }
0x40: {  	v3 =	vand.u32 $0x7, v3;
	v4 =	vand.u32 $0xFFFFFFF0, v52  }
0x41: {  	v3 =	vor.u32 v3, v4  }
0x42: {  	v4 =	vperm.xlane v3, v0;
	_ =	sdelay $0x1  }
0x43: {  	v3 =	vperm.xlane v3, v2;
	v4 =	vadd.s32 v1, v4;
	_ =	sdelay $0x1  }
0x44: {  	v3 =	vadd.s32 v1, v3;
	_ =	sdelay $0x2  }
0x45: {  	[tilespmem:s18], [sflag:$0x1] =	stream.indirect_vreg.gather [hbm4b:s1+s3], $0x80, v4, vm0, $0xb8;
	[tilespmem:$0x8080] =	vst v63  }
0x46: {  	_ = 	snop  }
0x47: {  	[tilespmem:s19], [sflag:$0x1] =	stream.indirect_vreg.gather [hbm4b:s1+s3], $0x80, v3, vm0, $0xb8;
	[tilespmem:$0x8080] =	vst v63  }
0x48: {  	v3 =	vld [tilespmem:$0x50];
	_ =	sdelay $0x4  }
0x49: {  	v53 =	vshll.u32 v3, $0x1  }
0x4a: {  	v3 =	vand.u32 $0x7, v3;
	v4 =	vand.u32 $0xFFFFFFF0, v53  }
0x4b: {  	v3 =	vor.u32 v3, v4  }
0x4c: {  	v4 =	vperm.xlane v3, v0;
	_ =	sdelay $0x1  }
0x4d: {  	v3 =	vperm.xlane v3, v2;
	v4 =	vadd.s32 v1, v4;
	_ =	sdelay $0x1  }
0x4e: {  	v3 =	vadd.s32 v1, v3;
	_ =	sdelay $0x2  }
0x4f: {  	[tilespmem:s20], [sflag:$0x1] =	stream.indirect_vreg.gather [hbm4b:s1+s3], $0x80, v4, vm0, $0xb8;
	[tilespmem:$0x8080] =	vst v63  }
0x50: {  	_ = 	snop  }
0x51: {  	[tilespmem:s21], [sflag:$0x1] =	stream.indirect_vreg.gather [hbm4b:s1+s3], $0x80, v3, vm0, $0xb8;
	[tilespmem:$0x8080] =	vst v63  }
0x52: {  	v3 =	vld [tilespmem:$0x60];
	_ =	sdelay $0x4  }
0x53: {  	v54 =	vshll.u32 v3, $0x1  }
0x54: {  	v3 =	vand.u32 $0x7, v3;
	v4 =	vand.u32 $0xFFFFFFF0, v54  }
0x55: {  	v3 =	vor.u32 v3, v4  }
0x56: {  	v4 =	vperm.xlane v3, v0;
	_ =	sdelay $0x1  }
0x57: {  	v3 =	vperm.xlane v3, v2;
	v4 =	vadd.s32 v1, v4;
	_ =	sdelay $0x1  }
0x58: {  	v3 =	vadd.s32 v1, v3;
	_ =	sdelay $0x2  }
0x59: {  	[tilespmem:s22], [sflag:$0x1] =	stream.indirect_vreg.gather [hbm4b:s1+s3], $0x80, v4, vm0, $0xb8;
	[tilespmem:$0x8080] =	vst v63  }
0x5a: {  	_ = 	snop  }
0x5b: {  	[tilespmem:s23], [sflag:$0x1] =	stream.indirect_vreg.gather [hbm4b:s1+s3], $0x80, v3, vm0, $0xb8;
	[tilespmem:$0x8080] =	vst v63  }
0x5c: {  	v3 =	vld [tilespmem:$0x70];
	_ =	sdelay $0x4  }
0x5d: {  	v55 =	vshll.u32 v3, $0x1  }
0x5e: {  	v3 =	vand.u32 $0x7, v3;
	v4 =	vand.u32 $0xFFFFFFF0, v55  }
0x5f: {  	v3 =	vor.u32 v3, v4  }
0x60: {  	v4 =	vperm.xlane v3, v0;
	_ =	sdelay $0x1  }
0x61: {  	v3 =	vperm.xlane v3, v2;
	v4 =	vadd.s32 v1, v4;
	_ =	sdelay $0x1  }
0x62: {  	v3 =	vadd.s32 v1, v3;
	_ =	sdelay $0x2  }
0x63: {  	[tilespmem:s24], [sflag:$0x1] =	stream.indirect_vreg.gather [hbm4b:s1+s3], $0x80, v4, vm0, $0xb8;
	[tilespmem:$0x8080] =	vst v63  }
0x64: {  	_ = 	snop  }
0x65: {  	[tilespmem:s25], [sflag:$0x1] =	stream.indirect_vreg.gather [hbm4b:s1+s3], $0x80, v3, vm0, $0xb8;
	[tilespmem:$0x8080] =	vst v63  }
0x66: {  	_ =	swait.ge [sflag:s26], $0x8000  }
0x67: {  	[sflag:s26] =	ssyncset.done $0x0  }
0x68: {  	[sflag:s26] =	ssyncadd.s32 $0xFFFF8000  }
0x69: {  	[hbm4b:s5+s3] =	stream.linear.scatter [tilespmem:s10], [sflag:$0x2], $0x8000, $0x38;
	[tilespmem:$0x8080] =	vst v63  }
0x6a: {  	_ =	swait.ge [sflag:s9], $0x8000  }
0x6b: {  	[sflag:s9] =	ssyncset.done $0x0  }
0x6c: {  	[sflag:s9] =	ssyncadd.s32 $0xFFFF8000  }
0x6d: {  	[tilespmem:s3], [sflag:$0x2] =	stream.linear.gather [hbm4b:s6+s3], $0x80, $0x38;
	[tilespmem:$0x8080] =	vst v63  }
0x6e: {  	_ =	swait.ge [sflag:s9], $0x80  }
0x6f: {  	[sflag:s9] =	ssyncset.done $0x0  }
0x70: {  	[sflag:s9] =	ssyncadd.s32 $0xFFFFFF80  }
0x71: {  	v3 =	vld [tilespmem:$0x0];
	_ =	sdelay $0x4  }
0x72: {  	v56 =	vshll.u32 v3, $0x1  }
0x73: {  	v3 =	vand.u32 $0x7, v3;
	v4 =	vand.u32 $0xFFFFFFF0, v56  }
0x74: {  	v3 =	vor.u32 v3, v4  }
0x75: {  	v4 =	vperm.xlane v3, v0;
	_ =	sdelay $0x1  }
0x76: {  	v3 =	vperm.xlane v3, v2;
	v4 =	vadd.s32 v1, v4;
	_ =	sdelay $0x1  }
0x77: {  	v3 =	vadd.s32 v1, v3;
	_ =	sdelay $0x2  }
0x78: {  	[tilespmem:s10], [sflag:$0x1] =	stream.indirect_vreg.gather [hbm4b:s1+s3], $0x80, v4, vm0, $0xb8;
	[tilespmem:$0x8080] =	vst v63  }
0x79: {  	_ = 	snop  }
0x7a: {  	[tilespmem:s11], [sflag:$0x1] =	stream.indirect_vreg.gather [hbm4b:s1+s3], $0x80, v3, vm0, $0xb8;
	[tilespmem:$0x8080] =	vst v63  }
0x7b: {  	v3 =	vld [tilespmem:$0x10];
	_ =	sdelay $0x4  }
0x7c: {  	v57 =	vshll.u32 v3, $0x1  }
0x7d: {  	v3 =	vand.u32 $0x7, v3;
	v4 =	vand.u32 $0xFFFFFFF0, v57  }
0x7e: {  	v3 =	vor.u32 v3, v4  }
0x7f: {  	v4 =	vperm.xlane v3, v0;
	_ =	sdelay $0x1  }
0x80: {  	v3 =	vperm.xlane v3, v2;
	v4 =	vadd.s32 v1, v4;
	_ =	sdelay $0x1  }
0x81: {  	v3 =	vadd.s32 v1, v3;
	_ =	sdelay $0x2  }
0x82: {  	[tilespmem:s12], [sflag:$0x1] =	stream.indirect_vreg.gather [hbm4b:s1+s3], $0x80, v4, vm0, $0xb8;
	[tilespmem:$0x8080] =	vst v63  }
0x83: {  	_ = 	snop  }
0x84: {  	[tilespmem:s13], [sflag:$0x1] =	stream.indirect_vreg.gather [hbm4b:s1+s3], $0x80, v3, vm0, $0xb8;
	[tilespmem:$0x8080] =	vst v63  }
0x85: {  	v3 =	vld [tilespmem:$0x20];
	_ =	sdelay $0x4  }
0x86: {  	v58 =	vshll.u32 v3, $0x1  }
0x87: {  	v3 =	vand.u32 $0x7, v3;
	v4 =	vand.u32 $0xFFFFFFF0, v58  }
0x88: {  	v3 =	vor.u32 v3, v4  }
0x89: {  	v4 =	vperm.xlane v3, v0;
	_ =	sdelay $0x1  }
0x8a: {  	v3 =	vperm.xlane v3, v2;
	v4 =	vadd.s32 v1, v4;
	_ =	sdelay $0x1  }
0x8b: {  	v3 =	vadd.s32 v1, v3;
	_ =	sdelay $0x2  }
0x8c: {  	[tilespmem:s14], [sflag:$0x1] =	stream.indirect_vreg.gather [hbm4b:s1+s3], $0x80, v4, vm0, $0xb8;
	[tilespmem:$0x8080] =	vst v63  }
0x8d: {  	_ = 	snop  }
0x8e: {  	[tilespmem:s15], [sflag:$0x1] =	stream.indirect_vreg.gather [hbm4b:s1+s3], $0x80, v3, vm0, $0xb8;
	[tilespmem:$0x8080] =	vst v63  }
0x8f: {  	v3 =	vld [tilespmem:$0x30];
	_ =	sdelay $0x4  }
0x90: {  	v59 =	vshll.u32 v3, $0x1  }
0x91: {  	v3 =	vand.u32 $0x7, v3;
	v4 =	vand.u32 $0xFFFFFFF0, v59  }
0x92: {  	v3 =	vor.u32 v3, v4  }
0x93: {  	v4 =	vperm.xlane v3, v0;
	_ =	sdelay $0x1  }
0x94: {  	v3 =	vperm.xlane v3, v2;
	v4 =	vadd.s32 v1, v4;
	_ =	sdelay $0x1  }
0x95: {  	v3 =	vadd.s32 v1, v3;
	_ =	sdelay $0x2  }
0x96: {  	[tilespmem:s16], [sflag:$0x1] =	stream.indirect_vreg.gather [hbm4b:s1+s3], $0x80, v4, vm0, $0xb8;
	[tilespmem:$0x8080] =	vst v63  }
0x97: {  	_ = 	snop  }
0x98: {  	[tilespmem:s17], [sflag:$0x1] =	stream.indirect_vreg.gather [hbm4b:s1+s3], $0x80, v3, vm0, $0xb8;
	[tilespmem:$0x8080] =	vst v63  }
0x99: {  	v3 =	vld [tilespmem:$0x40];
	_ =	sdelay $0x4  }
0x9a: {  	v60 =	vshll.u32 v3, $0x1  }
0x9b: {  	v3 =	vand.u32 $0x7, v3;
	v4 =	vand.u32 $0xFFFFFFF0, v60  }
0x9c: {  	v3 =	vor.u32 v3, v4  }
0x9d: {  	v4 =	vperm.xlane v3, v0;
	_ =	sdelay $0x1  }
0x9e: {  	v3 =	vperm.xlane v3, v2;
	v4 =	vadd.s32 v1, v4;
	_ =	sdelay $0x1  }
0x9f: {  	v3 =	vadd.s32 v1, v3;
	_ =	sdelay $0x2  }
0xa0: {  	[tilespmem:s18], [sflag:$0x1] =	stream.indirect_vreg.gather [hbm4b:s1+s3], $0x80, v4, vm0, $0xb8;
	[tilespmem:$0x8080] =	vst v63  }
0xa1: {  	_ = 	snop  }
0xa2: {  	[tilespmem:s19], [sflag:$0x1] =	stream.indirect_vreg.gather [hbm4b:s1+s3], $0x80, v3, vm0, $0xb8;
	[tilespmem:$0x8080] =	vst v63  }
0xa3: {  	v3 =	vld [tilespmem:$0x50];
	_ =	sdelay $0x4  }
0xa4: {  	v61 =	vshll.u32 v3, $0x1  }
0xa5: {  	v3 =	vand.u32 $0x7, v3;
	v4 =	vand.u32 $0xFFFFFFF0, v61  }
0xa6: {  	v3 =	vor.u32 v3, v4  }
0xa7: {  	v4 =	vperm.xlane v3, v0;
	_ =	sdelay $0x1  }
0xa8: {  	v3 =	vperm.xlane v3, v2;
	v4 =	vadd.s32 v1, v4;
	_ =	sdelay $0x1  }
0xa9: {  	v3 =	vadd.s32 v1, v3;
	_ =	sdelay $0x2  }
0xaa: {  	[tilespmem:s20], [sflag:$0x1] =	stream.indirect_vreg.gather [hbm4b:s1+s3], $0x80, v4, vm0, $0xb8;
	[tilespmem:$0x8080] =	vst v63  }
0xab: {  	_ = 	snop  }
0xac: {  	[tilespmem:s21], [sflag:$0x1] =	stream.indirect_vreg.gather [hbm4b:s1+s3], $0x80, v3, vm0, $0xb8;
	[tilespmem:$0x8080] =	vst v63  }
0xad: {  	v3 =	vld [tilespmem:$0x60];
	_ =	sdelay $0x4  }
0xae: {  	v62 =	vshll.u32 v3, $0x1  }
0xaf: {  	v3 =	vand.u32 $0x7, v3;
	v4 =	vand.u32 $0xFFFFFFF0, v62  }
0xb0: {  	v3 =	vor.u32 v3, v4  }
0xb1: {  	v4 =	vperm.xlane v3, v0;
	_ =	sdelay $0x1  }
0xb2: {  	v3 =	vperm.xlane v3, v2;
	v4 =	vadd.s32 v1, v4;
	_ =	sdelay $0x1  }
0xb3: {  	v3 =	vadd.s32 v1, v3;
	_ =	sdelay $0x2  }
0xb4: {  	[tilespmem:s22], [sflag:$0x1] =	stream.indirect_vreg.gather [hbm4b:s1+s3], $0x80, v4, vm0, $0xb8;
	[tilespmem:$0x8080] =	vst v63  }
0xb5: {  	_ = 	snop  }
0xb6: {  	[tilespmem:s23], [sflag:$0x1] =	stream.indirect_vreg.gather [hbm4b:s1+s3], $0x80, v3, vm0, $0xb8;
	[tilespmem:$0x8080] =	vst v63  }
0xb7: {  	v3 =	vld [tilespmem:$0x70];
	_ =	sdelay $0x4  }
0xb8: {  	v63 =	vshll.u32 v3, $0x1  }
0xb9: {  	v3 =	vand.u32 $0x7, v3;
	v4 =	vand.u32 $0xFFFFFFF0, v63  }
0xba: {  	v3 =	vor.u32 v3, v4  }
0xbb: {  	v4 =	vperm.xlane v3, v0;
	_ =	sdelay $0x1  }
0xbc: {  	v3 =	vperm.xlane v3, v2;
	v4 =	vadd.s32 v1, v4;
	_ =	sdelay $0x1  }
0xbd: {  	v3 =	vadd.s32 v1, v3;
	_ =	sdelay $0x2  }
0xbe: {  	[tilespmem:s24], [sflag:$0x1] =	stream.indirect_vreg.gather [hbm4b:s1+s3], $0x80, v4, vm0, $0xb8;
	[tilespmem:$0x8080] =	vst v63  }
0xbf: {  	_ = 	snop  }
0xc0: {  	[tilespmem:s25], [sflag:$0x1] =	stream.indirect_vreg.gather [hbm4b:s1+s3], $0x80, v3, vm0, $0xb8;
	[tilespmem:$0x8080] =	vst v63  }
0xc1: {  	_ =	swait.ge [sflag:s26], $0x8000  }
0xc2: {  	p0 =	sne.s32 s8, $0x1;
	[sflag:s26] =	ssyncset.done $0x0  }
.Ltmp0:
0xc3: {  	[sflag:s26] =	ssyncadd.s32 $0xFFFF8000;
	(pc) =	sbr.rel @p0 .LBB2_1-.Ltmp0, $4  }
0xc4: {  	[hbm4b:s7+s3] =	stream.linear.scatter [tilespmem:s10], [sflag:$0x2], $0x8000, $0x38;
	[tilespmem:$0x8080] =	vst v63  }
0xc5: {  	_ =	swait.ge [sflag:s9], $0x8000  }
0xc6: {  	[sflag:s9] =	ssyncset.done $0x0  }
0xc7: {  	s8 =	sadd.s32 $0xFFFFFFFF, s8;
	[sflag:s9] =	ssyncadd.s32 $0xFFFF8000  }
0xc8: {  	_ =	sfence.sel $0x180000  }
0xc9: {  	[bflag:$0x0] =	sbarrier.arrive $0xFFFF  }
0xca: {  	p0 =	sne.s32 s2, $0x0;
	_ =	strace $0x90000047  }
0xcb: {  	s0 =	sadd.s32 @!p0 $0x100000, s0;
	[bflag:$0x2] =	sbarrier.arrive $0xFFFF  }
0xcc: {  	[sflag:s0] =	ssyncadd.tile.s32 @!p0 $0x1;
	_ =	shalt  }
.Lfunc_end2:
_tile_overlayer_lowered:
.L_overlay_start_2:
0xcd: {  	(tag) =	ssettag $0x2  }
0xce: {  	s0 =	rddreg [dreg:$0x0];
	s2 =	stileid.u32  }
0xcf: {  	s1 =	rddreg [dreg:$0x1];
	p0 =	sne.s32 s2, $0x0  }
0xd0: {  	s3 =	rddreg [dreg:$0x2];
	[bflag:$0x3] =	sbarrier.arrive $0xFFFF;
	s2 =	simm.s32 @!p0 $0x1C02  }
0xd1: {  	[timem:s3], [sflag:s2] =	dma.local @!p0 [hbm:s0], s1  }
0xd2: {  	s0 =	simm.s32 @!p0 $0x2  }
0xd3: {  	_ =	swait.ge @!p0 [sflag:s0], s1  }
0xd4: {  	s1 =	ssub.s32 @!p0 $0x0, s1;
	[sflag:s0] =	ssyncset.done @!p0 $0x0  }
0xd5: {  	[sflag:s0] =	ssyncadd.s32 @!p0 s1  }
0xd6: {  	[bflag:$0x3] =	sbarrier.arrive $0xFFFF  }
0xd7: {  	_ =	shalt  }

</sc_bundles>
